<compile_context>
chip_gen: v7x
topology: tpu7x:2x2x1
jax: 0.10.2.dev20260603
libtpu: 0.0.44.dev20260713+nightly
codegen_flags: <defaults>
</compile_context>

<pallas_src>
import functools

import jax
import jax.numpy as jnp
from jax import lax
from jax.experimental import pallas as pl
from jax.experimental.pallas import tpu as pltpu
from jax.experimental.pallas import tpu_sc as plsc

D_MODEL = 1024
D_FFN = 2048
FT = 1024
N_EXPERTS = 8
BLOCK = 2048
BATCH = 2
K = 512
NP = BATCH * N_EXPERTS
ROWS = NP * K
RPW = ROWS // 32
CH = 64



def _router_body(choice_ref, xt_ref, slots_ref, g_ref):
    b = pl.program_id(0)
    ch = choice_ref[...]
    xt = xt_ref[0]
    lt = jnp.dot(ch, xt, preferred_element_type=jnp.float32)
    m = jnp.max(lt, axis=0, keepdims=True)
    ex = jnp.exp(lt - m)
    p = ex / jnp.sum(ex, axis=0, keepdims=True)
    bits = lax.bitcast_convert_type(p, jnp.int32)

    def vstep(_, lohi):
        lo, hi = lohi
        mid = lo + (hi - lo) // 2
        cnt = jnp.sum((bits >= mid).astype(jnp.int32), axis=1, keepdims=True)
        ge = cnt >= K
        return jnp.where(ge, mid, lo), jnp.where(ge, hi, mid)

    lo0 = jnp.zeros((N_EXPERTS, 1), jnp.int32)
    hi0 = jnp.full((N_EXPERTS, 1), 0x7F800000, jnp.int32)
    v, _ = lax.fori_loop(0, 31, vstep, (lo0, hi0))

    gt = bits > v
    eq = bits == v
    n_gt = jnp.sum(gt.astype(jnp.int32), axis=1, keepdims=True)
    quota = K - n_gt
    idx = lax.broadcasted_iota(jnp.int32, (N_EXPERTS, BLOCK), 1)

    def istep(_, lohi):
        lo, hi = lohi
        mid = lo + (hi - lo) // 2
        c2 = jnp.sum((eq & (idx < mid)).astype(jnp.int32), axis=1, keepdims=True)
        ge = c2 >= quota
        return jnp.where(ge, lo, mid), jnp.where(ge, mid, hi)

    _, m_idx = lax.fori_loop(
        0, 11, istep,
        (jnp.zeros((N_EXPERTS, 1), jnp.int32),
         jnp.full((N_EXPERTS, 1), BLOCK, jnp.int32)))

    keep = gt | (eq & (idx < m_idx))
    gates = jnp.where(keep, p, 0.0)

    i128a = lax.broadcasted_iota(jnp.int32, (128, 128), 0)
    i128b = lax.broadcasted_iota(jnp.int32, (128, 128), 1)
    U128 = (i128a <= i128b).astype(jnp.float32)
    i16a = lax.broadcasted_iota(jnp.int32, (16, 16), 0)
    i16b = lax.broadcasted_iota(jnp.int32, (16, 16), 1)
    SL16 = (i16b < i16a).astype(jnp.float32)
    iota_k = lax.broadcasted_iota(jnp.int32, (K, 1), 0)
    s_row = lax.broadcasted_iota(jnp.int32, (1, BLOCK), 1)
    rhs = jnp.concatenate(
        [(s_row // 256).astype(jnp.float32).reshape(BLOCK, 1),
         (s_row % 256).astype(jnp.float32).reshape(BLOCK, 1)], axis=1)

    slist, glist = [], []
    for e in range(N_EXPERTS):
        keep_row = keep[e:e + 1, :].astype(jnp.float32)
        keep2 = keep_row.reshape(16, 128)
        within = jnp.dot(keep2, U128, preferred_element_type=jnp.float32)
        rowtot = within[:, 127:128]
        rowoff = jnp.dot(SL16, rowtot, preferred_element_type=jnp.float32,
                         precision=jax.lax.Precision.HIGHEST)
        rank0 = (within + rowoff - 1.0).astype(jnp.int32)
        rank_row = rank0.reshape(1, BLOCK)
        Pe = jnp.where((iota_k == rank_row) & (keep_row > 0.0),
                       1.0, 0.0)
        rhs_e = jnp.concatenate([rhs, gates[e].reshape(BLOCK, 1)], axis=1)
        cols = jnp.dot(Pe, rhs_e, preferred_element_type=jnp.float32)
        sl = (cols[:, 0:1] * 256.0 + cols[:, 1:2]).astype(jnp.int32)
        slist.append((sl + b * BLOCK).reshape(1, 1, K))
        glist.append(cols[:, 2:3].reshape(1, K, 1))
    slots_ref[0] = jnp.concatenate(slist, axis=0)
    g_ref[0] = jnp.concatenate(glist, axis=0)


def _router(x, choice):
    xt = jnp.swapaxes(x, 1, 2)
    return pl.pallas_call(
        _router_body,
        grid=(BATCH,),
        in_specs=[
            pl.BlockSpec((N_EXPERTS, D_MODEL), lambda b: (0, 0)),
            pl.BlockSpec((1, D_MODEL, BLOCK), lambda b: (b, 0, 0)),
        ],
        out_specs=[
            pl.BlockSpec((1, N_EXPERTS, 1, K), lambda b: (b, 0, 0, 0)),
            pl.BlockSpec((1, N_EXPERTS, K, 1), lambda b: (b, 0, 0, 0)),
        ],
        out_shape=[
            jax.ShapeDtypeStruct((BATCH, N_EXPERTS, 1, K), jnp.int32),
            jax.ShapeDtypeStruct((BATCH, N_EXPERTS, K, 1), jnp.float32),
        ],
    )(choice, xt)



_MESH = plsc.VectorSubcoreMesh(
    core_axis_name="c", subcore_axis_name="s", num_cores=2, num_subcores=16)


RPW_B = N_EXPERTS * K // 32


@functools.partial(
    pl.kernel,
    out_type=jax.ShapeDtypeStruct((N_EXPERTS * K, D_MODEL), jnp.float32),
    mesh=_MESH,
    scratch_types=[
        pltpu.VMEM((RPW_B,), jnp.int32),
        pltpu.VMEM((CH, D_MODEL), jnp.float32),
        pltpu.SemaphoreType.DMA,
    ],
)
def _gather_b(slots_hbm, x2d_hbm, xin_hbm, myidx, rowbuf, sem):
    c = lax.axis_index("c")
    sid = lax.axis_index("s")
    w = sid * 2 + c
    p = w // 4
    q = w % 4
    pltpu.sync_copy(slots_hbm.at[p, pl.ds(q * RPW_B, RPW_B)], myidx)
    row0 = p * K + q * RPW_B
    for j in range(RPW_B // CH):
        pltpu.async_copy(x2d_hbm.at[myidx.at[pl.ds(j * CH, CH)]],
                         rowbuf, sem).wait()
        pltpu.sync_copy(rowbuf, xin_hbm.at[pl.ds(row0 + j * CH, CH)])



def _mlp_body(b, x_ref, g_ref, sl_ref, w1_ref, w2_ref, out_ref, yacc):
    e = pl.program_id(0)
    t = pl.program_id(1)

    @pl.when((e == 0) & (t == 0))
    def _():
        out_ref[...] = jnp.zeros_like(out_ref)

    x = x_ref[0]
    w1 = w1_ref[0]
    w2 = w2_ref[0]
    h = jnp.dot(x.astype(jnp.bfloat16), w1.astype(jnp.bfloat16),
                preferred_element_type=jnp.float32)
    h = h * (1.0 / (1.0 + jnp.exp(-h)))
    contrib = jnp.dot(h.astype(jnp.bfloat16), w2.astype(jnp.bfloat16),
                      preferred_element_type=jnp.float32)

    @pl.when(t == 0)
    def _():
        yacc[...] = contrib

    @pl.when(t > 0)
    def _():
        yacc[...] += contrib

    @pl.when(t == D_FFN // FT - 1)
    def _():
        g = g_ref[0, 0]
        y = (yacc[...] * g).astype(jnp.bfloat16)
        sl = sl_ref[0, 0]
        iota_s = (lax.broadcasted_iota(jnp.int32, (BLOCK, 1), 0)
                  + b * BLOCK)
        Pt = jnp.where(iota_s == sl, 1.0, 0.0).astype(jnp.bfloat16)
        out_ref[0] += jnp.dot(Pt, y, preferred_element_type=jnp.float32)


def _mlp_scatter_b(b, x_in, gcomp_b, slots_b, w1, w2):
    x3 = x_in.reshape(N_EXPERTS, K, D_MODEL)
    return pl.pallas_call(
        functools.partial(_mlp_body, b),
        grid=(N_EXPERTS, D_FFN // FT),
        in_specs=[
            pl.BlockSpec((1, K, D_MODEL), lambda e, t: (e, 0, 0)),
            pl.BlockSpec((1, 1, K, 1), lambda e, t: (0, e, 0, 0)),
            pl.BlockSpec((1, 1, 1, K), lambda e, t: (0, e, 0, 0)),
            pl.BlockSpec((1, D_MODEL, FT), lambda e, t: (e, 0, t)),
            pl.BlockSpec((1, FT, D_MODEL), lambda e, t: (e, t, 0)),
        ],
        out_specs=pl.BlockSpec((1, BLOCK, D_MODEL), lambda e, t: (0, 0, 0)),
        out_shape=jax.ShapeDtypeStruct((1, BLOCK, D_MODEL), jnp.float32),
        scratch_shapes=[pltpu.VMEM((K, D_MODEL), jnp.float32)],
    )(x3, gcomp_b, slots_b, w1, w2)



def kernel(x, choice, w1, w2):
    slots, gcomp = _router(x, choice)
    x2d = x.reshape(BATCH * BLOCK, D_MODEL)
    slots2 = slots.reshape(NP, K)
    outs = []
    for b in range(BATCH):
        x_in_b = _gather_b(slots2[b * N_EXPERTS:(b + 1) * N_EXPERTS], x2d)
        outs.append(_mlp_scatter_b(b, x_in_b,
                                   gcomp[b:b + 1], slots[b:b + 1], w1, w2))
    return jnp.concatenate(outs, axis=0)

# --- scband reference (transcript-rebuilt; emitter-appended) ---
"""Pipeline reference for scband-mo-e-35527969472973 (READ-ONLY COPY).

The authoritative reference and input builder live on the scoring server;
editing this copy changes nothing except your own understanding.
"""

import jax, jax.numpy as jnp
import numpy as np

D_MODEL = 1024
D_FFN = 2048
N_EXPERTS = 8
CAPACITY = 2
BLOCK = 2048
BATCH = 2


def setup_inputs(seed: int = 0) -> dict:
    key = jax.random.key(seed)
    k1, k2, k3, k4 = jax.random.split(key, 4)
    x = jax.random.normal(k1, (BATCH, BLOCK, D_MODEL), dtype=jnp.float32)
    # kaiming_uniform(a=sqrt(5)) -> U(-1/sqrt(fan_in), 1/sqrt(fan_in))
    choice = jax.random.uniform(k2, (N_EXPERTS, D_MODEL), jnp.float32, -1.0, 1.0) / np.sqrt(D_MODEL)
    w1 = jax.random.uniform(k3, (N_EXPERTS, D_MODEL, D_FFN), jnp.float32, -1.0, 1.0) / np.sqrt(D_MODEL * D_FFN)
    w2 = jax.random.uniform(k4, (N_EXPERTS, D_FFN, D_MODEL), jnp.float32, -1.0, 1.0) / np.sqrt(D_FFN * D_MODEL)
    return {"x": x, "choice": choice, "w1": w1, "w2": w2}


def reference(x, choice, w1, w2):
    # router: softmax over experts for every token
    probs = jax.nn.softmax(jnp.einsum('bsd,ed->bse', x, choice), axis=-1)
    k = BLOCK * CAPACITY // N_EXPERTS  # expert capacity = 512 tokens
    # expert-choice top-k over tokens: [b, e, s] -> top k tokens per expert
    G, I = jax.lax.top_k(jnp.swapaxes(probs, -1, -2), k)
    P = jax.nn.one_hot(I, BLOCK, dtype=x.dtype)  # [b, e, k, s]
    # gather selected tokens per expert
    x_in = jnp.einsum('beks,bsd->bekd', P, x)
    h = jax.nn.silu(jnp.einsum('bekd,edo->beko', x_in, w1))
    x_mlp = jnp.einsum('beki,eid->bekd', h, w2)
    # scatter back weighted by gate values (dropout is identity in eval)
    x_out = jnp.einsum('beks,bek,bekd->bsd', P, G, x_mlp)
    return x_out

if __name__ == "__main__":
    import jax
    _d = setup_inputs()
    print(jax.jit(kernel)(*tuple(_d.values())))

</pallas_src>

<mosaic_0001>
#map = affine_map<(d0, d1) -> (0, 0)>
module attributes {stable_mosaic.version = 14 : i64} {
  func.func @_gather_b(%arg0: i32, %arg1: i32, %arg2: memref<8x512xi32, #tpu.memory_space<hbm>>, %arg3: memref<4096x1024xf32, #tpu.memory_space<hbm>>, %arg4: memref<4096x1024xf32, #tpu.memory_space<hbm>>, %arg5: memref<128xi32, #tpu.memory_space<vmem>>, %arg6: memref<64x1024xf32, #tpu.memory_space<vmem>>, %arg7: memref<!tpu.dma_semaphore, #tpu.memory_space<semaphore_mem>>) attributes {dimension_semantics = [#tpu.dimension_semantics<core_parallel>, #tpu.dimension_semantics<subcore_parallel>], iteration_bounds = array<i64: 2, 16>, scalar_prefetch = 0 : i64, scratch_operands = 3 : i64, tpu.core_type = #tpu.core_type<sc_vector_subcore>, window_params = [{transform_indices = #map}, {transform_indices = #map}, {transform_indices = #map}]} {
    %mul3A = arith.constant 2 : i32
    %mul3A_0 = arith.muli %arg1, %mul3A : i32
    %add3A = arith.addi %mul3A_0, %arg0 : i32
    %jit3A = arith.constant 4 : i32
    %div3A = arith.divsi %add3A, %jit3A : i32
    %sign3A = arith.constant 0 : i32
    %sign3A_1 = arith.cmpi sgt, %add3A, %sign3A : i32
    %sign3A_2 = arith.extui %sign3A_1 : i1 to i32
    %sign3A_3 = arith.constant 0 : i32
    %sign3A_4 = arith.cmpi slt, %add3A, %sign3A_3 : i32
    %sign3A_5 = arith.extui %sign3A_4 : i1 to i32
    %sign3A_6 = arith.subi %sign3A_2, %sign3A_5 : i32
    %sign3A_7 = arith.constant 0 : i32
    %sign3A_8 = arith.cmpi sgt, %jit3A, %sign3A_7 : i32
    %sign3A_9 = arith.extui %sign3A_8 : i1 to i32
    %sign3A_10 = arith.constant 0 : i32
    %sign3A_11 = arith.cmpi slt, %jit3A, %sign3A_10 : i32
    %sign3A_12 = arith.extui %sign3A_11 : i1 to i32
    %sign3A_13 = arith.subi %sign3A_9, %sign3A_12 : i32
    %ne3A = arith.cmpi ne, %sign3A_6, %sign3A_13 : i32
    %rem3A = arith.remsi %add3A, %jit3A : i32
    %ne3A_14 = arith.constant 0 : i32
    %ne3A_15 = arith.cmpi ne, %rem3A, %ne3A_14 : i32
    %and3A = arith.andi %ne3A, %ne3A_15 : i1
    %sub3A = arith.constant 1 : i32
    %sub3A_16 = arith.subi %div3A, %sub3A : i32
    %select_n3A = arith.select %and3A, %sub3A_16, %div3A : i32
    %jit3A_17 = arith.constant 4 : i32
    %eq3A = arith.constant 0 : i32
    %eq3A_18 = arith.cmpi eq, %jit3A_17, %eq3A : i32
    %jit3A_19 = arith.constant 1 : i32
    %select_n3A_20 = arith.select %eq3A_18, %jit3A_19, %jit3A_17 : i32
    %rem3A_21 = arith.remsi %add3A, %select_n3A_20 : i32
    %ne3A_22 = arith.constant 0 : i32
    %ne3A_23 = arith.cmpi ne, %rem3A_21, %ne3A_22 : i32
    %lt3A = arith.constant 0 : i32
    %lt3A_24 = arith.cmpi slt, %rem3A_21, %lt3A : i32
    %lt3A_25 = arith.constant 0 : i32
    %lt3A_26 = arith.cmpi slt, %select_n3A_20, %lt3A_25 : i32
    %ne3A_27 = arith.xori %lt3A_24, %lt3A_26 : i1
    %and3A_28 = arith.andi %ne3A_27, %ne3A_23 : i1
    %add3A_29 = arith.addi %rem3A_21, %select_n3A_20 : i32
    %select_n3A_30 = arith.select %and3A_28, %add3A_29, %rem3A_21 : i32
    %mul3A_31 = arith.constant 128 : i32
    %mul3A_32 = arith.muli %select_n3A_30, %mul3A_31 : i32
    "tpu.region"() ({
      %run_scoped3A = tpu.sem_alloc : memref<!tpu.dma_semaphore, #tpu.memory_space<semaphore_mem>>
      %dma_start3A_60 = tpu.memref_slice %arg2[%select_n3A, %mul3A_32] : memref<8x512xi32, #tpu.memory_space<hbm>> -> memref<1x128xi32, #tpu.memory_space<hbm>>
      %dma_start3A_61 = tpu.memref_squeeze %dma_start3A_60 : memref<1x128xi32, #tpu.memory_space<hbm>> -> memref<128xi32, #tpu.memory_space<hbm>>
      %dma_start3A_62 = tpu.memref_slice %arg2[%select_n3A, %mul3A_32] : memref<8x512xi32, #tpu.memory_space<hbm>> -> memref<1x128xi32, #tpu.memory_space<hbm>>
      %dma_start3A_63 = tpu.memref_squeeze %dma_start3A_62 : memref<1x128xi32, #tpu.memory_space<hbm>> -> memref<128xi32, #tpu.memory_space<hbm>>
      tpu.enqueue_dma source(%dma_start3A_63 : memref<128xi32, #tpu.memory_space<hbm>>) target(%arg5 : memref<128xi32, #tpu.memory_space<vmem>>) target_semaphore(%run_scoped3A : memref<!tpu.dma_semaphore, #tpu.memory_space<semaphore_mem>>)
      %dma_wait3A_64 = tpu.memref_slice %arg2[%select_n3A, %mul3A_32] : memref<8x512xi32, #tpu.memory_space<hbm>> -> memref<1x128xi32, #tpu.memory_space<hbm>>
      %dma_wait3A_65 = tpu.memref_squeeze %dma_wait3A_64 : memref<1x128xi32, #tpu.memory_space<hbm>> -> memref<128xi32, #tpu.memory_space<hbm>>
      %dma_wait3A_66 = tpu.memref_slice %arg2[%select_n3A, %mul3A_32] : memref<8x512xi32, #tpu.memory_space<hbm>> -> memref<1x128xi32, #tpu.memory_space<hbm>>
      %dma_wait3A_67 = tpu.memref_squeeze %dma_wait3A_66 : memref<1x128xi32, #tpu.memory_space<hbm>> -> memref<128xi32, #tpu.memory_space<hbm>>
      tpu.wait_dma2 semaphore(%run_scoped3A : memref<!tpu.dma_semaphore, #tpu.memory_space<semaphore_mem>>) src(%dma_wait3A_67 : memref<128xi32, #tpu.memory_space<hbm>>) dst(%arg5 : memref<128xi32, #tpu.memory_space<vmem>>)
      tpu.yield
    }) : () -> ()
    %mul3A_33 = arith.constant 512 : i32
    %mul3A_34 = arith.muli %select_n3A, %mul3A_33 : i32
    %mul3A_35 = arith.constant 128 : i32
    %mul3A_36 = arith.muli %select_n3A_30, %mul3A_35 : i32
    %add3A_37 = arith.addi %mul3A_34, %mul3A_36 : i32
    %dma_start3A = arith.constant 0 : i32
    %dma_start3A_38 = tpu.memref_slice %arg5[%dma_start3A] : memref<128xi32, #tpu.memory_space<vmem>> -> memref<64xi32, #tpu.memory_space<vmem>>
    %dma_start3A_39 = arith.constant 0 : i32
    %dma_start3A_40 = arith.constant 0 : i32
    %dma_start3A_41 = tpu.memref_slice %arg3[%dma_start3A_39, %dma_start3A_40] : memref<4096x1024xf32, #tpu.memory_space<hbm>> -> memref<4096x1024xf32, #tpu.memory_space<hbm>>
    tpu.enqueue_indirect_dma source(%dma_start3A_41 : memref<4096x1024xf32, #tpu.memory_space<hbm>>) target(%arg6 : memref<64x1024xf32, #tpu.memory_space<vmem>>) offsets(%dma_start3A_38 : memref<64xi32, #tpu.memory_space<vmem>>) semaphore(%arg7 : memref<!tpu.dma_semaphore, #tpu.memory_space<semaphore_mem>>)
    %dma_wait3A = arith.constant 0 : i32
    %dma_wait3A_42 = tpu.memref_slice %arg5[%dma_wait3A] : memref<128xi32, #tpu.memory_space<vmem>> -> memref<64xi32, #tpu.memory_space<vmem>>
    %dma_wait3A_43 = arith.constant 0 : i32
    %dma_wait3A_44 = arith.constant 0 : i32
    %dma_wait3A_45 = tpu.memref_slice %arg3[%dma_wait3A_43, %dma_wait3A_44] : memref<4096x1024xf32, #tpu.memory_space<hbm>> -> memref<4096x1024xf32, #tpu.memory_space<hbm>>
    tpu.wait_indirect_dma semaphore(%arg7 : memref<!tpu.dma_semaphore, #tpu.memory_space<semaphore_mem>>) src(%dma_wait3A_45 : memref<4096x1024xf32, #tpu.memory_space<hbm>>) dst(%arg6 : memref<64x1024xf32, #tpu.memory_space<vmem>>)
    %add3A_46 = arith.constant 0 : i32
    %add3A_47 = arith.addi %add3A_37, %add3A_46 : i32
    "tpu.region"() ({
      %run_scoped3A = tpu.sem_alloc : memref<!tpu.dma_semaphore, #tpu.memory_space<semaphore_mem>>
      %dma_start3A_60 = arith.constant 0 : i32
      %dma_start3A_61 = tpu.memref_slice %arg4[%add3A_47, %dma_start3A_60] : memref<4096x1024xf32, #tpu.memory_space<hbm>> -> memref<64x1024xf32, #tpu.memory_space<hbm>>
      %dma_start3A_62 = arith.constant 0 : i32
      %dma_start3A_63 = tpu.memref_slice %arg4[%add3A_47, %dma_start3A_62] : memref<4096x1024xf32, #tpu.memory_space<hbm>> -> memref<64x1024xf32, #tpu.memory_space<hbm>>
      tpu.enqueue_dma source(%arg6 : memref<64x1024xf32, #tpu.memory_space<vmem>>) target(%dma_start3A_63 : memref<64x1024xf32, #tpu.memory_space<hbm>>) target_semaphore(%run_scoped3A : memref<!tpu.dma_semaphore, #tpu.memory_space<semaphore_mem>>)
      %dma_wait3A_64 = arith.constant 0 : i32
      %dma_wait3A_65 = tpu.memref_slice %arg4[%add3A_47, %dma_wait3A_64] : memref<4096x1024xf32, #tpu.memory_space<hbm>> -> memref<64x1024xf32, #tpu.memory_space<hbm>>
      %dma_wait3A_66 = arith.constant 0 : i32
      %dma_wait3A_67 = tpu.memref_slice %arg4[%add3A_47, %dma_wait3A_66] : memref<4096x1024xf32, #tpu.memory_space<hbm>> -> memref<64x1024xf32, #tpu.memory_space<hbm>>
      tpu.wait_dma2 semaphore(%run_scoped3A : memref<!tpu.dma_semaphore, #tpu.memory_space<semaphore_mem>>) src(%arg6 : memref<64x1024xf32, #tpu.memory_space<vmem>>) dst(%dma_wait3A_67 : memref<64x1024xf32, #tpu.memory_space<hbm>>)
      tpu.yield
    }) : () -> ()
    %dma_start3A_48 = arith.constant 64 : i32
    %dma_start3A_49 = tpu.memref_slice %arg5[%dma_start3A_48] : memref<128xi32, #tpu.memory_space<vmem>> -> memref<64xi32, #tpu.memory_space<vmem>>
    %dma_start3A_50 = arith.constant 0 : i32
    %dma_start3A_51 = arith.constant 0 : i32
    %dma_start3A_52 = tpu.memref_slice %arg3[%dma_start3A_50, %dma_start3A_51] : memref<4096x1024xf32, #tpu.memory_space<hbm>> -> memref<4096x1024xf32, #tpu.memory_space<hbm>>
    tpu.enqueue_indirect_dma source(%dma_start3A_52 : memref<4096x1024xf32, #tpu.memory_space<hbm>>) target(%arg6 : memref<64x1024xf32, #tpu.memory_space<vmem>>) offsets(%dma_start3A_49 : memref<64xi32, #tpu.memory_space<vmem>>) semaphore(%arg7 : memref<!tpu.dma_semaphore, #tpu.memory_space<semaphore_mem>>)
    %dma_wait3A_53 = arith.constant 64 : i32
    %dma_wait3A_54 = tpu.memref_slice %arg5[%dma_wait3A_53] : memref<128xi32, #tpu.memory_space<vmem>> -> memref<64xi32, #tpu.memory_space<vmem>>
    %dma_wait3A_55 = arith.constant 0 : i32
    %dma_wait3A_56 = arith.constant 0 : i32
    %dma_wait3A_57 = tpu.memref_slice %arg3[%dma_wait3A_55, %dma_wait3A_56] : memref<4096x1024xf32, #tpu.memory_space<hbm>> -> memref<4096x1024xf32, #tpu.memory_space<hbm>>
    tpu.wait_indirect_dma semaphore(%arg7 : memref<!tpu.dma_semaphore, #tpu.memory_space<semaphore_mem>>) src(%dma_wait3A_57 : memref<4096x1024xf32, #tpu.memory_space<hbm>>) dst(%arg6 : memref<64x1024xf32, #tpu.memory_space<vmem>>)
    %add3A_58 = arith.constant 64 : i32
    %add3A_59 = arith.addi %add3A_37, %add3A_58 : i32
    "tpu.region"() ({
      %run_scoped3A = tpu.sem_alloc : memref<!tpu.dma_semaphore, #tpu.memory_space<semaphore_mem>>
      %dma_start3A_60 = arith.constant 0 : i32
      %dma_start3A_61 = tpu.memref_slice %arg4[%add3A_59, %dma_start3A_60] : memref<4096x1024xf32, #tpu.memory_space<hbm>> -> memref<64x1024xf32, #tpu.memory_space<hbm>>
      %dma_start3A_62 = arith.constant 0 : i32
      %dma_start3A_63 = tpu.memref_slice %arg4[%add3A_59, %dma_start3A_62] : memref<4096x1024xf32, #tpu.memory_space<hbm>> -> memref<64x1024xf32, #tpu.memory_space<hbm>>
      tpu.enqueue_dma source(%arg6 : memref<64x1024xf32, #tpu.memory_space<vmem>>) target(%dma_start3A_63 : memref<64x1024xf32, #tpu.memory_space<hbm>>) target_semaphore(%run_scoped3A : memref<!tpu.dma_semaphore, #tpu.memory_space<semaphore_mem>>)
      %dma_wait3A_64 = arith.constant 0 : i32
      %dma_wait3A_65 = tpu.memref_slice %arg4[%add3A_59, %dma_wait3A_64] : memref<4096x1024xf32, #tpu.memory_space<hbm>> -> memref<64x1024xf32, #tpu.memory_space<hbm>>
      %dma_wait3A_66 = arith.constant 0 : i32
      %dma_wait3A_67 = tpu.memref_slice %arg4[%add3A_59, %dma_wait3A_66] : memref<4096x1024xf32, #tpu.memory_space<hbm>> -> memref<64x1024xf32, #tpu.memory_space<hbm>>
      tpu.wait_dma2 semaphore(%run_scoped3A : memref<!tpu.dma_semaphore, #tpu.memory_space<semaphore_mem>>) src(%arg6 : memref<64x1024xf32, #tpu.memory_space<vmem>>) dst(%dma_wait3A_67 : memref<64x1024xf32, #tpu.memory_space<hbm>>)
      tpu.yield
    }) : () -> ()
    return
  }
}

#map = affine_map<(d0, d1) -> (0, 0)>
module attributes {stable_mosaic.version = 14 : i64} {
  func.func @_gather_b(%arg0: i32, %arg1: i32, %arg2: memref<8x512xi32, #tpu.memory_space<hbm>>, %arg3: memref<4096x1024xf32, #tpu.memory_space<hbm>>, %arg4: memref<4096x1024xf32, #tpu.memory_space<hbm>>, %arg5: memref<128xi32, #tpu.memory_space<vmem>>, %arg6: memref<64x1024xf32, #tpu.memory_space<vmem>>, %arg7: memref<!tpu.dma_semaphore, #tpu.memory_space<semaphore_mem>>) attributes {dimension_semantics = [#tpu.dimension_semantics<core_parallel>, #tpu.dimension_semantics<subcore_parallel>], iteration_bounds = array<i64: 2, 16>, scalar_prefetch = 0 : i64, scratch_operands = 3 : i64, tpu.core_type = #tpu.core_type<sc_vector_subcore>, window_params = [{transform_indices = #map}, {transform_indices = #map}, {transform_indices = #map}]} {
    %mul3A = arith.constant 2 : i32
    %mul3A_0 = arith.muli %arg1, %mul3A : i32
    %add3A = arith.addi %mul3A_0, %arg0 : i32
    %jit3A = arith.constant 4 : i32
    %div3A = arith.divsi %add3A, %jit3A : i32
    %sign3A = arith.constant 0 : i32
    %sign3A_1 = arith.cmpi sgt, %add3A, %sign3A : i32
    %sign3A_2 = arith.extui %sign3A_1 : i1 to i32
    %sign3A_3 = arith.constant 0 : i32
    %sign3A_4 = arith.cmpi slt, %add3A, %sign3A_3 : i32
    %sign3A_5 = arith.extui %sign3A_4 : i1 to i32
    %sign3A_6 = arith.subi %sign3A_2, %sign3A_5 : i32
    %sign3A_7 = arith.constant 0 : i32
    %sign3A_8 = arith.cmpi sgt, %jit3A, %sign3A_7 : i32
    %sign3A_9 = arith.extui %sign3A_8 : i1 to i32
    %sign3A_10 = arith.constant 0 : i32
    %sign3A_11 = arith.cmpi slt, %jit3A, %sign3A_10 : i32
    %sign3A_12 = arith.extui %sign3A_11 : i1 to i32
    %sign3A_13 = arith.subi %sign3A_9, %sign3A_12 : i32
    %ne3A = arith.cmpi ne, %sign3A_6, %sign3A_13 : i32
    %rem3A = arith.remsi %add3A, %jit3A : i32
    %ne3A_14 = arith.constant 0 : i32
    %ne3A_15 = arith.cmpi ne, %rem3A, %ne3A_14 : i32
    %and3A = arith.andi %ne3A, %ne3A_15 : i1
    %sub3A = arith.constant 1 : i32
    %sub3A_16 = arith.subi %div3A, %sub3A : i32
    %select_n3A = arith.select %and3A, %sub3A_16, %div3A : i32
    %jit3A_17 = arith.constant 4 : i32
    %eq3A = arith.constant 0 : i32
    %eq3A_18 = arith.cmpi eq, %jit3A_17, %eq3A : i32
    %jit3A_19 = arith.constant 1 : i32
    %select_n3A_20 = arith.select %eq3A_18, %jit3A_19, %jit3A_17 : i32
    %rem3A_21 = arith.remsi %add3A, %select_n3A_20 : i32
    %ne3A_22 = arith.constant 0 : i32
    %ne3A_23 = arith.cmpi ne, %rem3A_21, %ne3A_22 : i32
    %lt3A = arith.constant 0 : i32
    %lt3A_24 = arith.cmpi slt, %rem3A_21, %lt3A : i32
    %lt3A_25 = arith.constant 0 : i32
    %lt3A_26 = arith.cmpi slt, %select_n3A_20, %lt3A_25 : i32
    %ne3A_27 = arith.xori %lt3A_24, %lt3A_26 : i1
    %and3A_28 = arith.andi %ne3A_27, %ne3A_23 : i1
    %add3A_29 = arith.addi %rem3A_21, %select_n3A_20 : i32
    %select_n3A_30 = arith.select %and3A_28, %add3A_29, %rem3A_21 : i32
    %mul3A_31 = arith.constant 128 : i32
    %mul3A_32 = arith.muli %select_n3A_30, %mul3A_31 : i32
    "tpu.region"() ({
      %run_scoped3A = tpu.sem_alloc : memref<!tpu.dma_semaphore, #tpu.memory_space<semaphore_mem>>
      %dma_start3A_60 = tpu.memref_slice %arg2[%select_n3A, %mul3A_32] : memref<8x512xi32, #tpu.memory_space<hbm>> -> memref<1x128xi32, #tpu.memory_space<hbm>>
      %dma_start3A_61 = tpu.memref_squeeze %dma_start3A_60 : memref<1x128xi32, #tpu.memory_space<hbm>> -> memref<128xi32, #tpu.memory_space<hbm>>
      %dma_start3A_62 = tpu.memref_slice %arg2[%select_n3A, %mul3A_32] : memref<8x512xi32, #tpu.memory_space<hbm>> -> memref<1x128xi32, #tpu.memory_space<hbm>>
      %dma_start3A_63 = tpu.memref_squeeze %dma_start3A_62 : memref<1x128xi32, #tpu.memory_space<hbm>> -> memref<128xi32, #tpu.memory_space<hbm>>
      tpu.enqueue_dma source(%dma_start3A_63 : memref<128xi32, #tpu.memory_space<hbm>>) target(%arg5 : memref<128xi32, #tpu.memory_space<vmem>>) target_semaphore(%run_scoped3A : memref<!tpu.dma_semaphore, #tpu.memory_space<semaphore_mem>>)
      %dma_wait3A_64 = tpu.memref_slice %arg2[%select_n3A, %mul3A_32] : memref<8x512xi32, #tpu.memory_space<hbm>> -> memref<1x128xi32, #tpu.memory_space<hbm>>
      %dma_wait3A_65 = tpu.memref_squeeze %dma_wait3A_64 : memref<1x128xi32, #tpu.memory_space<hbm>> -> memref<128xi32, #tpu.memory_space<hbm>>
      %dma_wait3A_66 = tpu.memref_slice %arg2[%select_n3A, %mul3A_32] : memref<8x512xi32, #tpu.memory_space<hbm>> -> memref<1x128xi32, #tpu.memory_space<hbm>>
      %dma_wait3A_67 = tpu.memref_squeeze %dma_wait3A_66 : memref<1x128xi32, #tpu.memory_space<hbm>> -> memref<128xi32, #tpu.memory_space<hbm>>
      tpu.wait_dma2 semaphore(%run_scoped3A : memref<!tpu.dma_semaphore, #tpu.memory_space<semaphore_mem>>) src(%dma_wait3A_67 : memref<128xi32, #tpu.memory_space<hbm>>) dst(%arg5 : memref<128xi32, #tpu.memory_space<vmem>>)
      tpu.yield
    }) : () -> ()
    %mul3A_33 = arith.constant 512 : i32
    %mul3A_34 = arith.muli %select_n3A, %mul3A_33 : i32
    %mul3A_35 = arith.constant 128 : i32
    %mul3A_36 = arith.muli %select_n3A_30, %mul3A_35 : i32
    %add3A_37 = arith.addi %mul3A_34, %mul3A_36 : i32
    %dma_start3A = arith.constant 0 : i32
    %dma_start3A_38 = tpu.memref_slice %arg5[%dma_start3A] : memref<128xi32, #tpu.memory_space<vmem>> -> memref<64xi32, #tpu.memory_space<vmem>>
    %dma_start3A_39 = arith.constant 0 : i32
    %dma_start3A_40 = arith.constant 0 : i32
    %dma_start3A_41 = tpu.memref_slice %arg3[%dma_start3A_39, %dma_start3A_40] : memref<4096x1024xf32, #tpu.memory_space<hbm>> -> memref<4096x1024xf32, #tpu.memory_space<hbm>>
    tpu.enqueue_indirect_dma source(%dma_start3A_41 : memref<4096x1024xf32, #tpu.memory_space<hbm>>) target(%arg6 : memref<64x1024xf32, #tpu.memory_space<vmem>>) offsets(%dma_start3A_38 : memref<64xi32, #tpu.memory_space<vmem>>) semaphore(%arg7 : memref<!tpu.dma_semaphore, #tpu.memory_space<semaphore_mem>>)
    %dma_wait3A = arith.constant 0 : i32
    %dma_wait3A_42 = tpu.memref_slice %arg5[%dma_wait3A] : memref<128xi32, #tpu.memory_space<vmem>> -> memref<64xi32, #tpu.memory_space<vmem>>
    %dma_wait3A_43 = arith.constant 0 : i32
    %dma_wait3A_44 = arith.constant 0 : i32
    %dma_wait3A_45 = tpu.memref_slice %arg3[%dma_wait3A_43, %dma_wait3A_44] : memref<4096x1024xf32, #tpu.memory_space<hbm>> -> memref<4096x1024xf32, #tpu.memory_space<hbm>>
    tpu.wait_indirect_dma semaphore(%arg7 : memref<!tpu.dma_semaphore, #tpu.memory_space<semaphore_mem>>) src(%dma_wait3A_45 : memref<4096x1024xf32, #tpu.memory_space<hbm>>) dst(%arg6 : memref<64x1024xf32, #tpu.memory_space<vmem>>)
    %add3A_46 = arith.constant 0 : i32
    %add3A_47 = arith.addi %add3A_37, %add3A_46 : i32
    "tpu.region"() ({
      %run_scoped3A = tpu.sem_alloc : memref<!tpu.dma_semaphore, #tpu.memory_space<semaphore_mem>>
      %dma_start3A_60 = arith.constant 0 : i32
      %dma_start3A_61 = tpu.memref_slice %arg4[%add3A_47, %dma_start3A_60] : memref<4096x1024xf32, #tpu.memory_space<hbm>> -> memref<64x1024xf32, #tpu.memory_space<hbm>>
      %dma_start3A_62 = arith.constant 0 : i32
      %dma_start3A_63 = tpu.memref_slice %arg4[%add3A_47, %dma_start3A_62] : memref<4096x1024xf32, #tpu.memory_space<hbm>> -> memref<64x1024xf32, #tpu.memory_space<hbm>>
      tpu.enqueue_dma source(%arg6 : memref<64x1024xf32, #tpu.memory_space<vmem>>) target(%dma_start3A_63 : memref<64x1024xf32, #tpu.memory_space<hbm>>) target_semaphore(%run_scoped3A : memref<!tpu.dma_semaphore, #tpu.memory_space<semaphore_mem>>)
      %dma_wait3A_64 = arith.constant 0 : i32
      %dma_wait3A_65 = tpu.memref_slice %arg4[%add3A_47, %dma_wait3A_64] : memref<4096x1024xf32, #tpu.memory_space<hbm>> -> memref<64x1024xf32, #tpu.memory_space<hbm>>
      %dma_wait3A_66 = arith.constant 0 : i32
      %dma_wait3A_67 = tpu.memref_slice %arg4[%add3A_47, %dma_wait3A_66] : memref<4096x1024xf32, #tpu.memory_space<hbm>> -> memref<64x1024xf32, #tpu.memory_space<hbm>>
      tpu.wait_dma2 semaphore(%run_scoped3A : memref<!tpu.dma_semaphore, #tpu.memory_space<semaphore_mem>>) src(%arg6 : memref<64x1024xf32, #tpu.memory_space<vmem>>) dst(%dma_wait3A_67 : memref<64x1024xf32, #tpu.memory_space<hbm>>)
      tpu.yield
    }) : () -> ()
    %dma_start3A_48 = arith.constant 64 : i32
    %dma_start3A_49 = tpu.memref_slice %arg5[%dma_start3A_48] : memref<128xi32, #tpu.memory_space<vmem>> -> memref<64xi32, #tpu.memory_space<vmem>>
    %dma_start3A_50 = arith.constant 0 : i32
    %dma_start3A_51 = arith.constant 0 : i32
    %dma_start3A_52 = tpu.memref_slice %arg3[%dma_start3A_50, %dma_start3A_51] : memref<4096x1024xf32, #tpu.memory_space<hbm>> -> memref<4096x1024xf32, #tpu.memory_space<hbm>>
    tpu.enqueue_indirect_dma source(%dma_start3A_52 : memref<4096x1024xf32, #tpu.memory_space<hbm>>) target(%arg6 : memref<64x1024xf32, #tpu.memory_space<vmem>>) offsets(%dma_start3A_49 : memref<64xi32, #tpu.memory_space<vmem>>) semaphore(%arg7 : memref<!tpu.dma_semaphore, #tpu.memory_space<semaphore_mem>>)
    %dma_wait3A_53 = arith.constant 64 : i32
    %dma_wait3A_54 = tpu.memref_slice %arg5[%dma_wait3A_53] : memref<128xi32, #tpu.memory_space<vmem>> -> memref<64xi32, #tpu.memory_space<vmem>>
    %dma_wait3A_55 = arith.constant 0 : i32
    %dma_wait3A_56 = arith.constant 0 : i32
    %dma_wait3A_57 = tpu.memref_slice %arg3[%dma_wait3A_55, %dma_wait3A_56] : memref<4096x1024xf32, #tpu.memory_space<hbm>> -> memref<4096x1024xf32, #tpu.memory_space<hbm>>
    tpu.wait_indirect_dma semaphore(%arg7 : memref<!tpu.dma_semaphore, #tpu.memory_space<semaphore_mem>>) src(%dma_wait3A_57 : memref<4096x1024xf32, #tpu.memory_space<hbm>>) dst(%arg6 : memref<64x1024xf32, #tpu.memory_space<vmem>>)
    %add3A_58 = arith.constant 64 : i32
    %add3A_59 = arith.addi %add3A_37, %add3A_58 : i32
    "tpu.region"() ({
      %run_scoped3A = tpu.sem_alloc : memref<!tpu.dma_semaphore, #tpu.memory_space<semaphore_mem>>
      %dma_start3A_60 = arith.constant 0 : i32
      %dma_start3A_61 = tpu.memref_slice %arg4[%add3A_59, %dma_start3A_60] : memref<4096x1024xf32, #tpu.memory_space<hbm>> -> memref<64x1024xf32, #tpu.memory_space<hbm>>
      %dma_start3A_62 = arith.constant 0 : i32
      %dma_start3A_63 = tpu.memref_slice %arg4[%add3A_59, %dma_start3A_62] : memref<4096x1024xf32, #tpu.memory_space<hbm>> -> memref<64x1024xf32, #tpu.memory_space<hbm>>
      tpu.enqueue_dma source(%arg6 : memref<64x1024xf32, #tpu.memory_space<vmem>>) target(%dma_start3A_63 : memref<64x1024xf32, #tpu.memory_space<hbm>>) target_semaphore(%run_scoped3A : memref<!tpu.dma_semaphore, #tpu.memory_space<semaphore_mem>>)
      %dma_wait3A_64 = arith.constant 0 : i32
      %dma_wait3A_65 = tpu.memref_slice %arg4[%add3A_59, %dma_wait3A_64] : memref<4096x1024xf32, #tpu.memory_space<hbm>> -> memref<64x1024xf32, #tpu.memory_space<hbm>>
      %dma_wait3A_66 = arith.constant 0 : i32
      %dma_wait3A_67 = tpu.memref_slice %arg4[%add3A_59, %dma_wait3A_66] : memref<4096x1024xf32, #tpu.memory_space<hbm>> -> memref<64x1024xf32, #tpu.memory_space<hbm>>
      tpu.wait_dma2 semaphore(%run_scoped3A : memref<!tpu.dma_semaphore, #tpu.memory_space<semaphore_mem>>) src(%arg6 : memref<64x1024xf32, #tpu.memory_space<vmem>>) dst(%dma_wait3A_67 : memref<64x1024xf32, #tpu.memory_space<hbm>>)
      tpu.yield
    }) : () -> ()
    return
  }
}

module attributes {stable_mosaic.version = 14 : i64} {
  func.func @_router_body(%arg0: i32, %arg1: memref<8x1024xf32, #tpu.memory_space<vmem>>, %arg2: memref<1x1024x2048xf32, #tpu.memory_space<vmem>>, %arg3: memref<1x8x1x512xi32, #tpu.memory_space<vmem>>, %arg4: memref<1x8x512x1xf32, #tpu.memory_space<vmem>>) attributes {dimension_semantics = [#tpu.dimension_semantics<arbitrary>], iteration_bounds = array<i64: 2>, scalar_prefetch = 0 : i64, scratch_operands = 0 : i64, tpu.core_type = #tpu.core_type<tc>, window_params = [{pipeline_mode = #tpu.pipeline_mode<synchronous>, transform_indices = @transform_0, window_bounds = array<i64: 8, 1024>}, {transform_indices = @transform_1, window_bounds = array<i64: 1, 1024, 2048>}, {transform_indices = @transform_2, window_bounds = array<i64: 1, 8, 1, 512>}, {transform_indices = @transform_3, window_bounds = array<i64: 1, 8, 512, 1>}]} {
    %get3A = arith.constant 0 : index
    %get3A_0 = arith.constant 0 : index
    %get3A_1 = vector.load %arg1[%get3A, %get3A_0] : memref<8x1024xf32, #tpu.memory_space<vmem>>, vector<8x1024xf32>
    %get3A_2 = arith.constant 0 : index
    %get3A_3 = arith.constant 0 : index
    %get3A_4 = arith.constant 0 : index
    %get3A_5 = vector.load %arg2[%get3A_2, %get3A_3, %get3A_4] : memref<1x1024x2048xf32, #tpu.memory_space<vmem>>, vector<1x1024x2048xf32>
    %get3A_6 = vector.shape_cast %get3A_5 : vector<1x1024x2048xf32> to vector<1024x2048xf32>
    %dot_general3A = arith.constant dense<0.000000e+00> : vector<8x2048xf32>
    %dot_general3A_7 = tpu.matmul %get3A_1, %get3A_6, %dot_general3A {dimension_numbers = #tpu.dot_dimension_numbers<[1], [0], [0], [1], [0, 0, 1, 1], [], []>, transpose_lhs_hint = false} : vector<8x1024xf32>, vector<1024x2048xf32>, vector<8x2048xf32> -> vector<8x2048xf32>
    %reduce_max3A = arith.constant dense<0xFF800000> : vector<2048xf32>
    %reduce_max3A_8 = vector.multi_reduction <maximumf>, %dot_general3A_7, %reduce_max3A [0] : vector<8x2048xf32> to vector<2048xf32>
    %broadcast_in_dim3A = vector.shape_cast %reduce_max3A_8 : vector<2048xf32> to vector<1x2048xf32>
    %sub3A = vector.broadcast %broadcast_in_dim3A : vector<1x2048xf32> to vector<8x2048xf32>
    %sub3A_9 = arith.subf %dot_general3A_7, %sub3A : vector<8x2048xf32>
    %exp3A = math.exp %sub3A_9 : vector<8x2048xf32>
    %reduce_sum3A = arith.constant dense<0.000000e+00> : vector<2048xf32>
    %reduce_sum3A_10 = vector.multi_reduction <add>, %exp3A, %reduce_sum3A [0] : vector<8x2048xf32> to vector<2048xf32>
    %broadcast_in_dim3A_11 = vector.shape_cast %reduce_sum3A_10 : vector<2048xf32> to vector<1x2048xf32>
    %div3A = vector.broadcast %broadcast_in_dim3A_11 : vector<1x2048xf32> to vector<8x2048xf32>
    %div3A_12 = arith.divf %exp3A, %div3A : vector<8x2048xf32>
    %bitcast_convert_type3A = tpu.bitcast %div3A_12 : vector<8x2048xf32> -> vector<8x2048xi32>
    %broadcast_in_dim3A_13 = arith.constant 0 : i32
    %broadcast_in_dim3A_14 = vector.broadcast %broadcast_in_dim3A_13 : i32 to vector<8x1xi32>
    %broadcast_in_dim3A_15 = arith.constant 2139095040 : i32
    %broadcast_in_dim3A_16 = vector.broadcast %broadcast_in_dim3A_15 : i32 to vector<8x1xi32>
    %scan3A = arith.constant 0 : i32
    %scan3A_17 = arith.constant 31 : i32
    %scan3A_18 = arith.addi %scan3A, %scan3A_17 : i32
    %scan3A_19 = arith.constant 1 : i32
    %scan3A_20:2 = scf.for %scan3A_507 = %scan3A to %scan3A_18 step %scan3A_19 iter_args(%scan3A_508 = %broadcast_in_dim3A_14, %scan3A_509 = %broadcast_in_dim3A_16) -> (vector<8x1xi32>, vector<8x1xi32>)  : i32 {
      %sub3A_510 = arith.subi %scan3A_509, %scan3A_508 : vector<8x1xi32>
      %jit3A_511 = arith.constant 2 : i32
      %div3A_512 = vector.broadcast %jit3A_511 : i32 to vector<8x1xi32>
      %div3A_513 = arith.divsi %sub3A_510, %div3A_512 : vector<8x1xi32>
      %sign3A_514 = arith.constant 0 : i32
      %sign3A_515 = vector.broadcast %sign3A_514 : i32 to vector<8x1xi32>
      %sign3A_516 = arith.cmpi sgt, %sub3A_510, %sign3A_515 : vector<8x1xi32>
      %sign3A_517 = arith.extui %sign3A_516 : vector<8x1xi1> to vector<8x1xi32>
      %sign3A_518 = arith.constant 0 : i32
      %sign3A_519 = vector.broadcast %sign3A_518 : i32 to vector<8x1xi32>
      %sign3A_520 = arith.cmpi slt, %sub3A_510, %sign3A_519 : vector<8x1xi32>
      %sign3A_521 = arith.extui %sign3A_520 : vector<8x1xi1> to vector<8x1xi32>
      %sign3A_522 = arith.subi %sign3A_517, %sign3A_521 : vector<8x1xi32>
      %sign3A_523 = arith.constant 0 : i32
      %sign3A_524 = arith.cmpi sgt, %jit3A_511, %sign3A_523 : i32
      %sign3A_525 = arith.extui %sign3A_524 : i1 to i32
      %sign3A_526 = arith.constant 0 : i32
      %sign3A_527 = arith.cmpi slt, %jit3A_511, %sign3A_526 : i32
      %sign3A_528 = arith.extui %sign3A_527 : i1 to i32
      %sign3A_529 = arith.subi %sign3A_525, %sign3A_528 : i32
      %ne3A_530 = vector.broadcast %sign3A_529 : i32 to vector<8x1xi32>
      %ne3A_531 = arith.cmpi ne, %sign3A_522, %ne3A_530 : vector<8x1xi32>
      %rem3A_532 = vector.broadcast %jit3A_511 : i32 to vector<8x1xi32>
      %rem3A_533 = arith.remsi %sub3A_510, %rem3A_532 : vector<8x1xi32>
      %ne3A_534 = arith.constant 0 : i32
      %ne3A_535 = vector.broadcast %ne3A_534 : i32 to vector<8x1xi32>
      %ne3A_536 = arith.cmpi ne, %rem3A_533, %ne3A_535 : vector<8x1xi32>
      %and3A_537 = arith.andi %ne3A_531, %ne3A_536 : vector<8x1xi1>
      %sub3A_538 = arith.constant 1 : i32
      %sub3A_539 = vector.broadcast %sub3A_538 : i32 to vector<8x1xi32>
      %sub3A_540 = arith.subi %div3A_513, %sub3A_539 : vector<8x1xi32>
      %select_n3A_541 = arith.select %and3A_537, %sub3A_540, %div3A_513 : vector<8x1xi1>, vector<8x1xi32>
      %add3A_542 = arith.addi %scan3A_508, %select_n3A_541 : vector<8x1xi32>
      %ge3A = vector.broadcast %add3A_542 : vector<8x1xi32> to vector<8x2048xi32>
      %ge3A_543 = arith.cmpi sge, %bitcast_convert_type3A, %ge3A : vector<8x2048xi32>
      %convert_element_type3A_544 = arith.extui %ge3A_543 : vector<8x2048xi1> to vector<8x2048xi32>
      %reduce_sum3A_545 = arith.constant dense<0> : vector<8xi32>
      %reduce_sum3A_546 = vector.multi_reduction <add>, %convert_element_type3A_544, %reduce_sum3A_545 [1] : vector<8x2048xi32> to vector<8xi32>
      %broadcast_in_dim3A_547 = vector.shape_cast %reduce_sum3A_546 : vector<8xi32> to vector<8x1xi32>
      %ge3A_548 = arith.constant 512 : i32
      %ge3A_549 = vector.broadcast %ge3A_548 : i32 to vector<8x1xi32>
      %ge3A_550 = arith.cmpi sge, %broadcast_in_dim3A_547, %ge3A_549 : vector<8x1xi32>
      %select_n3A_551 = arith.select %ge3A_550, %add3A_542, %scan3A_508 : vector<8x1xi1>, vector<8x1xi32>
      %select_n3A_552 = arith.select %ge3A_550, %scan3A_509, %add3A_542 : vector<8x1xi1>, vector<8x1xi32>
      scf.yield %select_n3A_551, %select_n3A_552 : vector<8x1xi32>, vector<8x1xi32>
    }
    %gt3A = vector.broadcast %scan3A_20#0 : vector<8x1xi32> to vector<8x2048xi32>
    %gt3A_21 = arith.cmpi sgt, %bitcast_convert_type3A, %gt3A : vector<8x2048xi32>
    %eq3A = vector.broadcast %scan3A_20#0 : vector<8x1xi32> to vector<8x2048xi32>
    %eq3A_22 = arith.cmpi eq, %bitcast_convert_type3A, %eq3A : vector<8x2048xi32>
    %convert_element_type3A = arith.extui %gt3A_21 : vector<8x2048xi1> to vector<8x2048xi32>
    %reduce_sum3A_23 = arith.constant dense<0> : vector<8xi32>
    %reduce_sum3A_24 = vector.multi_reduction <add>, %convert_element_type3A, %reduce_sum3A_23 [1] : vector<8x2048xi32> to vector<8xi32>
    %broadcast_in_dim3A_25 = vector.shape_cast %reduce_sum3A_24 : vector<8xi32> to vector<8x1xi32>
    %sub3A_26 = arith.constant 512 : i32
    %sub3A_27 = vector.broadcast %sub3A_26 : i32 to vector<8x1xi32>
    %sub3A_28 = arith.subi %sub3A_27, %broadcast_in_dim3A_25 : vector<8x1xi32>
    %iota3A = tpu.iota {dimensions = array<i32: 1>} : vector<8x2048xi32>
    %broadcast_in_dim3A_29 = arith.constant 0 : i32
    %broadcast_in_dim3A_30 = vector.broadcast %broadcast_in_dim3A_29 : i32 to vector<8x1xi32>
    %broadcast_in_dim3A_31 = arith.constant 2048 : i32
    %broadcast_in_dim3A_32 = vector.broadcast %broadcast_in_dim3A_31 : i32 to vector<8x1xi32>
    %scan3A_33 = arith.constant 0 : i32
    %scan3A_34 = arith.constant 11 : i32
    %scan3A_35 = arith.addi %scan3A_33, %scan3A_34 : i32
    %scan3A_36 = arith.constant 1 : i32
    %scan3A_37:2 = scf.for %scan3A_507 = %scan3A_33 to %scan3A_35 step %scan3A_36 iter_args(%scan3A_508 = %broadcast_in_dim3A_30, %scan3A_509 = %broadcast_in_dim3A_32) -> (vector<8x1xi32>, vector<8x1xi32>)  : i32 {
      %sub3A_510 = arith.subi %scan3A_509, %scan3A_508 : vector<8x1xi32>
      %jit3A_511 = arith.constant 2 : i32
      %div3A_512 = vector.broadcast %jit3A_511 : i32 to vector<8x1xi32>
      %div3A_513 = arith.divsi %sub3A_510, %div3A_512 : vector<8x1xi32>
      %sign3A_514 = arith.constant 0 : i32
      %sign3A_515 = vector.broadcast %sign3A_514 : i32 to vector<8x1xi32>
      %sign3A_516 = arith.cmpi sgt, %sub3A_510, %sign3A_515 : vector<8x1xi32>
      %sign3A_517 = arith.extui %sign3A_516 : vector<8x1xi1> to vector<8x1xi32>
      %sign3A_518 = arith.constant 0 : i32
      %sign3A_519 = vector.broadcast %sign3A_518 : i32 to vector<8x1xi32>
      %sign3A_520 = arith.cmpi slt, %sub3A_510, %sign3A_519 : vector<8x1xi32>
      %sign3A_521 = arith.extui %sign3A_520 : vector<8x1xi1> to vector<8x1xi32>
      %sign3A_522 = arith.subi %sign3A_517, %sign3A_521 : vector<8x1xi32>
      %sign3A_523 = arith.constant 0 : i32
      %sign3A_524 = arith.cmpi sgt, %jit3A_511, %sign3A_523 : i32
      %sign3A_525 = arith.extui %sign3A_524 : i1 to i32
      %sign3A_526 = arith.constant 0 : i32
      %sign3A_527 = arith.cmpi slt, %jit3A_511, %sign3A_526 : i32
      %sign3A_528 = arith.extui %sign3A_527 : i1 to i32
      %sign3A_529 = arith.subi %sign3A_525, %sign3A_528 : i32
      %ne3A_530 = vector.broadcast %sign3A_529 : i32 to vector<8x1xi32>
      %ne3A_531 = arith.cmpi ne, %sign3A_522, %ne3A_530 : vector<8x1xi32>
      %rem3A_532 = vector.broadcast %jit3A_511 : i32 to vector<8x1xi32>
      %rem3A_533 = arith.remsi %sub3A_510, %rem3A_532 : vector<8x1xi32>
      %ne3A_534 = arith.constant 0 : i32
      %ne3A_535 = vector.broadcast %ne3A_534 : i32 to vector<8x1xi32>
      %ne3A_536 = arith.cmpi ne, %rem3A_533, %ne3A_535 : vector<8x1xi32>
      %and3A_537 = arith.andi %ne3A_531, %ne3A_536 : vector<8x1xi1>
      %sub3A_538 = arith.constant 1 : i32
      %sub3A_539 = vector.broadcast %sub3A_538 : i32 to vector<8x1xi32>
      %sub3A_540 = arith.subi %div3A_513, %sub3A_539 : vector<8x1xi32>
      %select_n3A_541 = arith.select %and3A_537, %sub3A_540, %div3A_513 : vector<8x1xi1>, vector<8x1xi32>
      %add3A_542 = arith.addi %scan3A_508, %select_n3A_541 : vector<8x1xi32>
      %lt3A_543 = vector.broadcast %add3A_542 : vector<8x1xi32> to vector<8x2048xi32>
      %lt3A_544 = arith.cmpi slt, %iota3A, %lt3A_543 : vector<8x2048xi32>
      %and3A_545 = arith.andi %eq3A_22, %lt3A_544 : vector<8x2048xi1>
      %convert_element_type3A_546 = arith.extui %and3A_545 : vector<8x2048xi1> to vector<8x2048xi32>
      %reduce_sum3A_547 = arith.constant dense<0> : vector<8xi32>
      %reduce_sum3A_548 = vector.multi_reduction <add>, %convert_element_type3A_546, %reduce_sum3A_547 [1] : vector<8x2048xi32> to vector<8xi32>
      %broadcast_in_dim3A_549 = vector.shape_cast %reduce_sum3A_548 : vector<8xi32> to vector<8x1xi32>
      %ge3A = arith.cmpi sge, %broadcast_in_dim3A_549, %sub3A_28 : vector<8x1xi32>
      %select_n3A_550 = arith.select %ge3A, %scan3A_508, %add3A_542 : vector<8x1xi1>, vector<8x1xi32>
      %select_n3A_551 = arith.select %ge3A, %add3A_542, %scan3A_509 : vector<8x1xi1>, vector<8x1xi32>
      scf.yield %select_n3A_550, %select_n3A_551 : vector<8x1xi32>, vector<8x1xi32>
    }
    %lt3A = vector.broadcast %scan3A_37#1 : vector<8x1xi32> to vector<8x2048xi32>
    %lt3A_38 = arith.cmpi slt, %iota3A, %lt3A : vector<8x2048xi32>
    %and3A = arith.andi %eq3A_22, %lt3A_38 : vector<8x2048xi1>
    %or3A = arith.ori %gt3A_21, %and3A : vector<8x2048xi1>
    %jit3A = arith.constant 0.000000e+00 : f32
    %broadcast_in_dim3A_39 = vector.broadcast %jit3A : f32 to vector<8x2048xf32>
    %select_n3A = arith.select %or3A, %div3A_12, %broadcast_in_dim3A_39 : vector<8x2048xi1>, vector<8x2048xf32>
    %iota3A_40 = tpu.iota {dimensions = array<i32: 0>} : vector<128x128xi32>
    %iota3A_41 = tpu.iota {dimensions = array<i32: 1>} : vector<128x128xi32>
    %le3A = arith.cmpi sle, %iota3A_40, %iota3A_41 : vector<128x128xi32>
    %convert_element_type3A_42 = arith.extui %le3A : vector<128x128xi1> to vector<128x128xi32>
    %convert_element_type3A_43 = arith.sitofp %convert_element_type3A_42 : vector<128x128xi32> to vector<128x128xf32>
    %iota3A_44 = tpu.iota {dimensions = array<i32: 0>} : vector<16x16xi32>
    %iota3A_45 = tpu.iota {dimensions = array<i32: 1>} : vector<16x16xi32>
    %lt3A_46 = arith.cmpi slt, %iota3A_45, %iota3A_44 : vector<16x16xi32>
    %convert_element_type3A_47 = arith.extui %lt3A_46 : vector<16x16xi1> to vector<16x16xi32>
    %convert_element_type3A_48 = arith.sitofp %convert_element_type3A_47 : vector<16x16xi32> to vector<16x16xf32>
    %iota3A_49 = tpu.iota {dimensions = array<i32: 0>} : vector<512x1xi32>
    %iota3A_50 = tpu.iota {dimensions = array<i32: 1>} : vector<1x2048xi32>
    %jit3A_51 = arith.constant 256 : i32
    %div3A_52 = vector.broadcast %jit3A_51 : i32 to vector<1x2048xi32>
    %div3A_53 = arith.divsi %iota3A_50, %div3A_52 : vector<1x2048xi32>
    %sign3A = arith.constant 0 : i32
    %sign3A_54 = vector.broadcast %sign3A : i32 to vector<1x2048xi32>
    %sign3A_55 = arith.cmpi sgt, %iota3A_50, %sign3A_54 : vector<1x2048xi32>
    %sign3A_56 = arith.extui %sign3A_55 : vector<1x2048xi1> to vector<1x2048xi32>
    %sign3A_57 = arith.constant 0 : i32
    %sign3A_58 = vector.broadcast %sign3A_57 : i32 to vector<1x2048xi32>
    %sign3A_59 = arith.cmpi slt, %iota3A_50, %sign3A_58 : vector<1x2048xi32>
    %sign3A_60 = arith.extui %sign3A_59 : vector<1x2048xi1> to vector<1x2048xi32>
    %sign3A_61 = arith.subi %sign3A_56, %sign3A_60 : vector<1x2048xi32>
    %sign3A_62 = arith.constant 0 : i32
    %sign3A_63 = arith.cmpi sgt, %jit3A_51, %sign3A_62 : i32
    %sign3A_64 = arith.extui %sign3A_63 : i1 to i32
    %sign3A_65 = arith.constant 0 : i32
    %sign3A_66 = arith.cmpi slt, %jit3A_51, %sign3A_65 : i32
    %sign3A_67 = arith.extui %sign3A_66 : i1 to i32
    %sign3A_68 = arith.subi %sign3A_64, %sign3A_67 : i32
    %ne3A = vector.broadcast %sign3A_68 : i32 to vector<1x2048xi32>
    %ne3A_69 = arith.cmpi ne, %sign3A_61, %ne3A : vector<1x2048xi32>
    %rem3A = vector.broadcast %jit3A_51 : i32 to vector<1x2048xi32>
    %rem3A_70 = arith.remsi %iota3A_50, %rem3A : vector<1x2048xi32>
    %ne3A_71 = arith.constant 0 : i32
    %ne3A_72 = vector.broadcast %ne3A_71 : i32 to vector<1x2048xi32>
    %ne3A_73 = arith.cmpi ne, %rem3A_70, %ne3A_72 : vector<1x2048xi32>
    %and3A_74 = arith.andi %ne3A_69, %ne3A_73 : vector<1x2048xi1>
    %sub3A_75 = arith.constant 1 : i32
    %sub3A_76 = vector.broadcast %sub3A_75 : i32 to vector<1x2048xi32>
    %sub3A_77 = arith.subi %div3A_53, %sub3A_76 : vector<1x2048xi32>
    %select_n3A_78 = arith.select %and3A_74, %sub3A_77, %div3A_53 : vector<1x2048xi1>, vector<1x2048xi32>
    %convert_element_type3A_79 = arith.sitofp %select_n3A_78 : vector<1x2048xi32> to vector<1x2048xf32>
    %reshape3A = vector.shape_cast %convert_element_type3A_79 : vector<1x2048xf32> to vector<2048x1xf32>
    %jit3A_80 = arith.constant 256 : i32
    %eq3A_81 = arith.constant 0 : i32
    %eq3A_82 = arith.cmpi eq, %jit3A_80, %eq3A_81 : i32
    %jit3A_83 = arith.constant 1 : i32
    %select_n3A_84 = arith.select %eq3A_82, %jit3A_83, %jit3A_80 : i32
    %rem3A_85 = vector.broadcast %select_n3A_84 : i32 to vector<1x2048xi32>
    %rem3A_86 = arith.remsi %iota3A_50, %rem3A_85 : vector<1x2048xi32>
    %ne3A_87 = arith.constant 0 : i32
    %ne3A_88 = vector.broadcast %ne3A_87 : i32 to vector<1x2048xi32>
    %ne3A_89 = arith.cmpi ne, %rem3A_86, %ne3A_88 : vector<1x2048xi32>
    %lt3A_90 = arith.constant 0 : i32
    %lt3A_91 = vector.broadcast %lt3A_90 : i32 to vector<1x2048xi32>
    %lt3A_92 = arith.cmpi slt, %rem3A_86, %lt3A_91 : vector<1x2048xi32>
    %lt3A_93 = arith.constant 0 : i32
    %lt3A_94 = arith.cmpi slt, %select_n3A_84, %lt3A_93 : i32
    %ne3A_95 = vector.broadcast %lt3A_94 : i1 to vector<1x2048xi1>
    %ne3A_96 = vector.broadcast %ne3A_95 : vector<1x2048xi1> to vector<1x2048xi1>
    %ne3A_97 = arith.xori %lt3A_92, %ne3A_96 : vector<1x2048xi1>
    %and3A_98 = arith.andi %ne3A_97, %ne3A_89 : vector<1x2048xi1>
    %add3A = vector.broadcast %select_n3A_84 : i32 to vector<1x2048xi32>
    %add3A_99 = arith.addi %rem3A_86, %add3A : vector<1x2048xi32>
    %select_n3A_100 = arith.select %and3A_98, %add3A_99, %rem3A_86 : vector<1x2048xi1>, vector<1x2048xi32>
    %convert_element_type3A_101 = arith.sitofp %select_n3A_100 : vector<1x2048xi32> to vector<1x2048xf32>
    %reshape3A_102 = vector.shape_cast %convert_element_type3A_101 : vector<1x2048xf32> to vector<2048x1xf32>
    %concatenate3A = tpu.concatenate %reshape3A, %reshape3A_102 in 1 : vector<2048x1xf32>, vector<2048x1xf32> -> vector<2048x2xf32>
    %slice3A = vector.extract_strided_slice %or3A {offsets = [0, 0], sizes = [1, 2048], strides = [1, 1]} : vector<8x2048xi1> to vector<1x2048xi1>
    %convert_element_type3A_103 = arith.extui %slice3A : vector<1x2048xi1> to vector<1x2048xi32>
    %convert_element_type3A_104 = arith.sitofp %convert_element_type3A_103 : vector<1x2048xi32> to vector<1x2048xf32>
    %reshape3A_105 = vector.shape_cast %convert_element_type3A_104 : vector<1x2048xf32> to vector<16x128xf32>
    %dot_general3A_106 = arith.constant dense<0.000000e+00> : vector<16x128xf32>
    %dot_general3A_107 = tpu.matmul %reshape3A_105, %convert_element_type3A_43, %dot_general3A_106 {dimension_numbers = #tpu.dot_dimension_numbers<[1], [0], [0], [1], [0, 0, 1, 1], [], []>, transpose_lhs_hint = false} : vector<16x128xf32>, vector<128x128xf32>, vector<16x128xf32> -> vector<16x128xf32>
    %slice3A_108 = vector.extract_strided_slice %dot_general3A_107 {offsets = [0, 127], sizes = [16, 1], strides = [1, 1]} : vector<16x128xf32> to vector<16x1xf32>
    %dot_general3A_109 = arith.constant dense<0.000000e+00> : vector<16x1xf32>
    %dot_general3A_110 = tpu.matmul %convert_element_type3A_48, %slice3A_108, %dot_general3A_109 {dimension_numbers = #tpu.dot_dimension_numbers<[1], [0], [0], [1], [0, 0, 1, 1], [], []>, precision = #tpu.contract_precision<fp32>, transpose_lhs_hint = false} : vector<16x16xf32>, vector<16x1xf32>, vector<16x1xf32> -> vector<16x1xf32>
    %add3A_111 = vector.broadcast %dot_general3A_110 : vector<16x1xf32> to vector<16x128xf32>
    %add3A_112 = arith.addf %dot_general3A_107, %add3A_111 : vector<16x128xf32>
    %sub3A_113 = arith.constant 1.000000e+00 : f32
    %sub3A_114 = vector.broadcast %sub3A_113 : f32 to vector<16x128xf32>
    %sub3A_115 = arith.subf %add3A_112, %sub3A_114 : vector<16x128xf32>
    %convert_element_type3A_116 = arith.fptosi %sub3A_115 : vector<16x128xf32> to vector<16x128xi32>
    %reshape3A_117 = vector.shape_cast %convert_element_type3A_116 : vector<16x128xi32> to vector<1x2048xi32>
    %eq3A_118 = vector.broadcast %iota3A_49 : vector<512x1xi32> to vector<512x2048xi32>
    %eq3A_119 = vector.broadcast %reshape3A_117 : vector<1x2048xi32> to vector<512x2048xi32>
    %eq3A_120 = arith.cmpi eq, %eq3A_118, %eq3A_119 : vector<512x2048xi32>
    %gt3A_121 = arith.constant 0.000000e+00 : f32
    %gt3A_122 = vector.broadcast %gt3A_121 : f32 to vector<1x2048xf32>
    %gt3A_123 = arith.cmpf ogt, %convert_element_type3A_104, %gt3A_122 : vector<1x2048xf32>
    %and3A_124 = vector.broadcast %gt3A_123 : vector<1x2048xi1> to vector<512x2048xi1>
    %and3A_125 = arith.andi %eq3A_120, %and3A_124 : vector<512x2048xi1>
    %jit3A_126 = arith.constant 1.000000e+00 : f32
    %jit3A_127 = arith.constant 0.000000e+00 : f32
    %broadcast_in_dim3A_128 = vector.broadcast %jit3A_126 : f32 to vector<512x2048xf32>
    %broadcast_in_dim3A_129 = vector.broadcast %jit3A_127 : f32 to vector<512x2048xf32>
    %select_n3A_130 = arith.select %and3A_125, %broadcast_in_dim3A_128, %broadcast_in_dim3A_129 : vector<512x2048xi1>, vector<512x2048xf32>
    %slice3A_131 = vector.extract_strided_slice %select_n3A {offsets = [0, 0], sizes = [1, 2048], strides = [1, 1]} : vector<8x2048xf32> to vector<1x2048xf32>
    %squeeze3A = vector.shape_cast %slice3A_131 : vector<1x2048xf32> to vector<2048xf32>
    %reshape3A_132 = vector.shape_cast %squeeze3A : vector<2048xf32> to vector<2048x1xf32>
    %concatenate3A_133 = tpu.concatenate %concatenate3A, %reshape3A_132 in 1 : vector<2048x2xf32>, vector<2048x1xf32> -> vector<2048x3xf32>
    %dot_general3A_134 = arith.constant dense<0.000000e+00> : vector<512x3xf32>
    %dot_general3A_135 = tpu.matmul %select_n3A_130, %concatenate3A_133, %dot_general3A_134 {dimension_numbers = #tpu.dot_dimension_numbers<[1], [0], [0], [1], [0, 0, 1, 1], [], []>, transpose_lhs_hint = false} : vector<512x2048xf32>, vector<2048x3xf32>, vector<512x3xf32> -> vector<512x3xf32>
    %slice3A_136 = vector.extract_strided_slice %dot_general3A_135 {offsets = [0, 0], sizes = [512, 1], strides = [1, 1]} : vector<512x3xf32> to vector<512x1xf32>
    %mul3A = arith.constant 2.560000e+02 : f32
    %mul3A_137 = vector.broadcast %mul3A : f32 to vector<512x1xf32>
    %mul3A_138 = arith.mulf %slice3A_136, %mul3A_137 : vector<512x1xf32>
    %slice3A_139 = vector.extract_strided_slice %dot_general3A_135 {offsets = [0, 1], sizes = [512, 1], strides = [1, 1]} : vector<512x3xf32> to vector<512x1xf32>
    %add3A_140 = arith.addf %mul3A_138, %slice3A_139 : vector<512x1xf32>
    %convert_element_type3A_141 = arith.fptosi %add3A_140 : vector<512x1xf32> to vector<512x1xi32>
    %mul3A_142 = arith.constant 2048 : i32
    %mul3A_143 = arith.muli %arg0, %mul3A_142 : i32
    %add3A_144 = vector.broadcast %mul3A_143 : i32 to vector<512x1xi32>
    %add3A_145 = arith.addi %convert_element_type3A_141, %add3A_144 : vector<512x1xi32>
    %reshape3A_146 = vector.shape_cast %add3A_145 : vector<512x1xi32> to vector<1x1x512xi32>
    %slice3A_147 = vector.extract_strided_slice %dot_general3A_135 {offsets = [0, 2], sizes = [512, 1], strides = [1, 1]} : vector<512x3xf32> to vector<512x1xf32>
    %reshape3A_148 = vector.shape_cast %slice3A_147 : vector<512x1xf32> to vector<1x512x1xf32>
    %slice3A_149 = vector.extract_strided_slice %or3A {offsets = [1, 0], sizes = [1, 2048], strides = [1, 1]} : vector<8x2048xi1> to vector<1x2048xi1>
    %convert_element_type3A_150 = arith.extui %slice3A_149 : vector<1x2048xi1> to vector<1x2048xi32>
    %convert_element_type3A_151 = arith.sitofp %convert_element_type3A_150 : vector<1x2048xi32> to vector<1x2048xf32>
    %reshape3A_152 = vector.shape_cast %convert_element_type3A_151 : vector<1x2048xf32> to vector<16x128xf32>
    %dot_general3A_153 = arith.constant dense<0.000000e+00> : vector<16x128xf32>
    %dot_general3A_154 = tpu.matmul %reshape3A_152, %convert_element_type3A_43, %dot_general3A_153 {dimension_numbers = #tpu.dot_dimension_numbers<[1], [0], [0], [1], [0, 0, 1, 1], [], []>, transpose_lhs_hint = false} : vector<16x128xf32>, vector<128x128xf32>, vector<16x128xf32> -> vector<16x128xf32>
    %slice3A_155 = vector.extract_strided_slice %dot_general3A_154 {offsets = [0, 127], sizes = [16, 1], strides = [1, 1]} : vector<16x128xf32> to vector<16x1xf32>
    %dot_general3A_156 = arith.constant dense<0.000000e+00> : vector<16x1xf32>
    %dot_general3A_157 = tpu.matmul %convert_element_type3A_48, %slice3A_155, %dot_general3A_156 {dimension_numbers = #tpu.dot_dimension_numbers<[1], [0], [0], [1], [0, 0, 1, 1], [], []>, precision = #tpu.contract_precision<fp32>, transpose_lhs_hint = false} : vector<16x16xf32>, vector<16x1xf32>, vector<16x1xf32> -> vector<16x1xf32>
    %add3A_158 = vector.broadcast %dot_general3A_157 : vector<16x1xf32> to vector<16x128xf32>
    %add3A_159 = arith.addf %dot_general3A_154, %add3A_158 : vector<16x128xf32>
    %sub3A_160 = arith.constant 1.000000e+00 : f32
    %sub3A_161 = vector.broadcast %sub3A_160 : f32 to vector<16x128xf32>
    %sub3A_162 = arith.subf %add3A_159, %sub3A_161 : vector<16x128xf32>
    %convert_element_type3A_163 = arith.fptosi %sub3A_162 : vector<16x128xf32> to vector<16x128xi32>
    %reshape3A_164 = vector.shape_cast %convert_element_type3A_163 : vector<16x128xi32> to vector<1x2048xi32>
    %eq3A_165 = vector.broadcast %iota3A_49 : vector<512x1xi32> to vector<512x2048xi32>
    %eq3A_166 = vector.broadcast %reshape3A_164 : vector<1x2048xi32> to vector<512x2048xi32>
    %eq3A_167 = arith.cmpi eq, %eq3A_165, %eq3A_166 : vector<512x2048xi32>
    %gt3A_168 = arith.constant 0.000000e+00 : f32
    %gt3A_169 = vector.broadcast %gt3A_168 : f32 to vector<1x2048xf32>
    %gt3A_170 = arith.cmpf ogt, %convert_element_type3A_151, %gt3A_169 : vector<1x2048xf32>
    %and3A_171 = vector.broadcast %gt3A_170 : vector<1x2048xi1> to vector<512x2048xi1>
    %and3A_172 = arith.andi %eq3A_167, %and3A_171 : vector<512x2048xi1>
    %jit3A_173 = arith.constant 1.000000e+00 : f32
    %jit3A_174 = arith.constant 0.000000e+00 : f32
    %broadcast_in_dim3A_175 = vector.broadcast %jit3A_173 : f32 to vector<512x2048xf32>
    %broadcast_in_dim3A_176 = vector.broadcast %jit3A_174 : f32 to vector<512x2048xf32>
    %select_n3A_177 = arith.select %and3A_172, %broadcast_in_dim3A_175, %broadcast_in_dim3A_176 : vector<512x2048xi1>, vector<512x2048xf32>
    %slice3A_178 = vector.extract_strided_slice %select_n3A {offsets = [1, 0], sizes = [1, 2048], strides = [1, 1]} : vector<8x2048xf32> to vector<1x2048xf32>
    %squeeze3A_179 = vector.shape_cast %slice3A_178 : vector<1x2048xf32> to vector<2048xf32>
    %reshape3A_180 = vector.shape_cast %squeeze3A_179 : vector<2048xf32> to vector<2048x1xf32>
    %concatenate3A_181 = tpu.concatenate %concatenate3A, %reshape3A_180 in 1 : vector<2048x2xf32>, vector<2048x1xf32> -> vector<2048x3xf32>
    %dot_general3A_182 = arith.constant dense<0.000000e+00> : vector<512x3xf32>
    %dot_general3A_183 = tpu.matmul %select_n3A_177, %concatenate3A_181, %dot_general3A_182 {dimension_numbers = #tpu.dot_dimension_numbers<[1], [0], [0], [1], [0, 0, 1, 1], [], []>, transpose_lhs_hint = false} : vector<512x2048xf32>, vector<2048x3xf32>, vector<512x3xf32> -> vector<512x3xf32>
    %slice3A_184 = vector.extract_strided_slice %dot_general3A_183 {offsets = [0, 0], sizes = [512, 1], strides = [1, 1]} : vector<512x3xf32> to vector<512x1xf32>
    %mul3A_185 = arith.constant 2.560000e+02 : f32
    %mul3A_186 = vector.broadcast %mul3A_185 : f32 to vector<512x1xf32>
    %mul3A_187 = arith.mulf %slice3A_184, %mul3A_186 : vector<512x1xf32>
    %slice3A_188 = vector.extract_strided_slice %dot_general3A_183 {offsets = [0, 1], sizes = [512, 1], strides = [1, 1]} : vector<512x3xf32> to vector<512x1xf32>
    %add3A_189 = arith.addf %mul3A_187, %slice3A_188 : vector<512x1xf32>
    %convert_element_type3A_190 = arith.fptosi %add3A_189 : vector<512x1xf32> to vector<512x1xi32>
    %mul3A_191 = arith.constant 2048 : i32
    %mul3A_192 = arith.muli %arg0, %mul3A_191 : i32
    %add3A_193 = vector.broadcast %mul3A_192 : i32 to vector<512x1xi32>
    %add3A_194 = arith.addi %convert_element_type3A_190, %add3A_193 : vector<512x1xi32>
    %reshape3A_195 = vector.shape_cast %add3A_194 : vector<512x1xi32> to vector<1x1x512xi32>
    %slice3A_196 = vector.extract_strided_slice %dot_general3A_183 {offsets = [0, 2], sizes = [512, 1], strides = [1, 1]} : vector<512x3xf32> to vector<512x1xf32>
    %reshape3A_197 = vector.shape_cast %slice3A_196 : vector<512x1xf32> to vector<1x512x1xf32>
    %slice3A_198 = vector.extract_strided_slice %or3A {offsets = [2, 0], sizes = [1, 2048], strides = [1, 1]} : vector<8x2048xi1> to vector<1x2048xi1>
    %convert_element_type3A_199 = arith.extui %slice3A_198 : vector<1x2048xi1> to vector<1x2048xi32>
    %convert_element_type3A_200 = arith.sitofp %convert_element_type3A_199 : vector<1x2048xi32> to vector<1x2048xf32>
    %reshape3A_201 = vector.shape_cast %convert_element_type3A_200 : vector<1x2048xf32> to vector<16x128xf32>
    %dot_general3A_202 = arith.constant dense<0.000000e+00> : vector<16x128xf32>
    %dot_general3A_203 = tpu.matmul %reshape3A_201, %convert_element_type3A_43, %dot_general3A_202 {dimension_numbers = #tpu.dot_dimension_numbers<[1], [0], [0], [1], [0, 0, 1, 1], [], []>, transpose_lhs_hint = false} : vector<16x128xf32>, vector<128x128xf32>, vector<16x128xf32> -> vector<16x128xf32>
    %slice3A_204 = vector.extract_strided_slice %dot_general3A_203 {offsets = [0, 127], sizes = [16, 1], strides = [1, 1]} : vector<16x128xf32> to vector<16x1xf32>
    %dot_general3A_205 = arith.constant dense<0.000000e+00> : vector<16x1xf32>
    %dot_general3A_206 = tpu.matmul %convert_element_type3A_48, %slice3A_204, %dot_general3A_205 {dimension_numbers = #tpu.dot_dimension_numbers<[1], [0], [0], [1], [0, 0, 1, 1], [], []>, precision = #tpu.contract_precision<fp32>, transpose_lhs_hint = false} : vector<16x16xf32>, vector<16x1xf32>, vector<16x1xf32> -> vector<16x1xf32>
    %add3A_207 = vector.broadcast %dot_general3A_206 : vector<16x1xf32> to vector<16x128xf32>
    %add3A_208 = arith.addf %dot_general3A_203, %add3A_207 : vector<16x128xf32>
    %sub3A_209 = arith.constant 1.000000e+00 : f32
    %sub3A_210 = vector.broadcast %sub3A_209 : f32 to vector<16x128xf32>
    %sub3A_211 = arith.subf %add3A_208, %sub3A_210 : vector<16x128xf32>
    %convert_element_type3A_212 = arith.fptosi %sub3A_211 : vector<16x128xf32> to vector<16x128xi32>
    %reshape3A_213 = vector.shape_cast %convert_element_type3A_212 : vector<16x128xi32> to vector<1x2048xi32>
    %eq3A_214 = vector.broadcast %iota3A_49 : vector<512x1xi32> to vector<512x2048xi32>
    %eq3A_215 = vector.broadcast %reshape3A_213 : vector<1x2048xi32> to vector<512x2048xi32>
    %eq3A_216 = arith.cmpi eq, %eq3A_214, %eq3A_215 : vector<512x2048xi32>
    %gt3A_217 = arith.constant 0.000000e+00 : f32
    %gt3A_218 = vector.broadcast %gt3A_217 : f32 to vector<1x2048xf32>
    %gt3A_219 = arith.cmpf ogt, %convert_element_type3A_200, %gt3A_218 : vector<1x2048xf32>
    %and3A_220 = vector.broadcast %gt3A_219 : vector<1x2048xi1> to vector<512x2048xi1>
    %and3A_221 = arith.andi %eq3A_216, %and3A_220 : vector<512x2048xi1>
    %jit3A_222 = arith.constant 1.000000e+00 : f32
    %jit3A_223 = arith.constant 0.000000e+00 : f32
    %broadcast_in_dim3A_224 = vector.broadcast %jit3A_222 : f32 to vector<512x2048xf32>
    %broadcast_in_dim3A_225 = vector.broadcast %jit3A_223 : f32 to vector<512x2048xf32>
    %select_n3A_226 = arith.select %and3A_221, %broadcast_in_dim3A_224, %broadcast_in_dim3A_225 : vector<512x2048xi1>, vector<512x2048xf32>
    %slice3A_227 = vector.extract_strided_slice %select_n3A {offsets = [2, 0], sizes = [1, 2048], strides = [1, 1]} : vector<8x2048xf32> to vector<1x2048xf32>
    %squeeze3A_228 = vector.shape_cast %slice3A_227 : vector<1x2048xf32> to vector<2048xf32>
    %reshape3A_229 = vector.shape_cast %squeeze3A_228 : vector<2048xf32> to vector<2048x1xf32>
    %concatenate3A_230 = tpu.concatenate %concatenate3A, %reshape3A_229 in 1 : vector<2048x2xf32>, vector<2048x1xf32> -> vector<2048x3xf32>
    %dot_general3A_231 = arith.constant dense<0.000000e+00> : vector<512x3xf32>
    %dot_general3A_232 = tpu.matmul %select_n3A_226, %concatenate3A_230, %dot_general3A_231 {dimension_numbers = #tpu.dot_dimension_numbers<[1], [0], [0], [1], [0, 0, 1, 1], [], []>, transpose_lhs_hint = false} : vector<512x2048xf32>, vector<2048x3xf32>, vector<512x3xf32> -> vector<512x3xf32>
    %slice3A_233 = vector.extract_strided_slice %dot_general3A_232 {offsets = [0, 0], sizes = [512, 1], strides = [1, 1]} : vector<512x3xf32> to vector<512x1xf32>
    %mul3A_234 = arith.constant 2.560000e+02 : f32
    %mul3A_235 = vector.broadcast %mul3A_234 : f32 to vector<512x1xf32>
    %mul3A_236 = arith.mulf %slice3A_233, %mul3A_235 : vector<512x1xf32>
    %slice3A_237 = vector.extract_strided_slice %dot_general3A_232 {offsets = [0, 1], sizes = [512, 1], strides = [1, 1]} : vector<512x3xf32> to vector<512x1xf32>
    %add3A_238 = arith.addf %mul3A_236, %slice3A_237 : vector<512x1xf32>
    %convert_element_type3A_239 = arith.fptosi %add3A_238 : vector<512x1xf32> to vector<512x1xi32>
    %mul3A_240 = arith.constant 2048 : i32
    %mul3A_241 = arith.muli %arg0, %mul3A_240 : i32
    %add3A_242 = vector.broadcast %mul3A_241 : i32 to vector<512x1xi32>
    %add3A_243 = arith.addi %convert_element_type3A_239, %add3A_242 : vector<512x1xi32>
    %reshape3A_244 = vector.shape_cast %add3A_243 : vector<512x1xi32> to vector<1x1x512xi32>
    %slice3A_245 = vector.extract_strided_slice %dot_general3A_232 {offsets = [0, 2], sizes = [512, 1], strides = [1, 1]} : vector<512x3xf32> to vector<512x1xf32>
    %reshape3A_246 = vector.shape_cast %slice3A_245 : vector<512x1xf32> to vector<1x512x1xf32>
    %slice3A_247 = vector.extract_strided_slice %or3A {offsets = [3, 0], sizes = [1, 2048], strides = [1, 1]} : vector<8x2048xi1> to vector<1x2048xi1>
    %convert_element_type3A_248 = arith.extui %slice3A_247 : vector<1x2048xi1> to vector<1x2048xi32>
    %convert_element_type3A_249 = arith.sitofp %convert_element_type3A_248 : vector<1x2048xi32> to vector<1x2048xf32>
    %reshape3A_250 = vector.shape_cast %convert_element_type3A_249 : vector<1x2048xf32> to vector<16x128xf32>
    %dot_general3A_251 = arith.constant dense<0.000000e+00> : vector<16x128xf32>
    %dot_general3A_252 = tpu.matmul %reshape3A_250, %convert_element_type3A_43, %dot_general3A_251 {dimension_numbers = #tpu.dot_dimension_numbers<[1], [0], [0], [1], [0, 0, 1, 1], [], []>, transpose_lhs_hint = false} : vector<16x128xf32>, vector<128x128xf32>, vector<16x128xf32> -> vector<16x128xf32>
    %slice3A_253 = vector.extract_strided_slice %dot_general3A_252 {offsets = [0, 127], sizes = [16, 1], strides = [1, 1]} : vector<16x128xf32> to vector<16x1xf32>
    %dot_general3A_254 = arith.constant dense<0.000000e+00> : vector<16x1xf32>
    %dot_general3A_255 = tpu.matmul %convert_element_type3A_48, %slice3A_253, %dot_general3A_254 {dimension_numbers = #tpu.dot_dimension_numbers<[1], [0], [0], [1], [0, 0, 1, 1], [], []>, precision = #tpu.contract_precision<fp32>, transpose_lhs_hint = false} : vector<16x16xf32>, vector<16x1xf32>, vector<16x1xf32> -> vector<16x1xf32>
    %add3A_256 = vector.broadcast %dot_general3A_255 : vector<16x1xf32> to vector<16x128xf32>
    %add3A_257 = arith.addf %dot_general3A_252, %add3A_256 : vector<16x128xf32>
    %sub3A_258 = arith.constant 1.000000e+00 : f32
    %sub3A_259 = vector.broadcast %sub3A_258 : f32 to vector<16x128xf32>
    %sub3A_260 = arith.subf %add3A_257, %sub3A_259 : vector<16x128xf32>
    %convert_element_type3A_261 = arith.fptosi %sub3A_260 : vector<16x128xf32> to vector<16x128xi32>
    %reshape3A_262 = vector.shape_cast %convert_element_type3A_261 : vector<16x128xi32> to vector<1x2048xi32>
    %eq3A_263 = vector.broadcast %iota3A_49 : vector<512x1xi32> to vector<512x2048xi32>
    %eq3A_264 = vector.broadcast %reshape3A_262 : vector<1x2048xi32> to vector<512x2048xi32>
    %eq3A_265 = arith.cmpi eq, %eq3A_263, %eq3A_264 : vector<512x2048xi32>
    %gt3A_266 = arith.constant 0.000000e+00 : f32
    %gt3A_267 = vector.broadcast %gt3A_266 : f32 to vector<1x2048xf32>
    %gt3A_268 = arith.cmpf ogt, %convert_element_type3A_249, %gt3A_267 : vector<1x2048xf32>
    %and3A_269 = vector.broadcast %gt3A_268 : vector<1x2048xi1> to vector<512x2048xi1>
    %and3A_270 = arith.andi %eq3A_265, %and3A_269 : vector<512x2048xi1>
    %jit3A_271 = arith.constant 1.000000e+00 : f32
    %jit3A_272 = arith.constant 0.000000e+00 : f32
    %broadcast_in_dim3A_273 = vector.broadcast %jit3A_271 : f32 to vector<512x2048xf32>
    %broadcast_in_dim3A_274 = vector.broadcast %jit3A_272 : f32 to vector<512x2048xf32>
    %select_n3A_275 = arith.select %and3A_270, %broadcast_in_dim3A_273, %broadcast_in_dim3A_274 : vector<512x2048xi1>, vector<512x2048xf32>
    %slice3A_276 = vector.extract_strided_slice %select_n3A {offsets = [3, 0], sizes = [1, 2048], strides = [1, 1]} : vector<8x2048xf32> to vector<1x2048xf32>
    %squeeze3A_277 = vector.shape_cast %slice3A_276 : vector<1x2048xf32> to vector<2048xf32>
    %reshape3A_278 = vector.shape_cast %squeeze3A_277 : vector<2048xf32> to vector<2048x1xf32>
    %concatenate3A_279 = tpu.concatenate %concatenate3A, %reshape3A_278 in 1 : vector<2048x2xf32>, vector<2048x1xf32> -> vector<2048x3xf32>
    %dot_general3A_280 = arith.constant dense<0.000000e+00> : vector<512x3xf32>
    %dot_general3A_281 = tpu.matmul %select_n3A_275, %concatenate3A_279, %dot_general3A_280 {dimension_numbers = #tpu.dot_dimension_numbers<[1], [0], [0], [1], [0, 0, 1, 1], [], []>, transpose_lhs_hint = false} : vector<512x2048xf32>, vector<2048x3xf32>, vector<512x3xf32> -> vector<512x3xf32>
    %slice3A_282 = vector.extract_strided_slice %dot_general3A_281 {offsets = [0, 0], sizes = [512, 1], strides = [1, 1]} : vector<512x3xf32> to vector<512x1xf32>
    %mul3A_283 = arith.constant 2.560000e+02 : f32
    %mul3A_284 = vector.broadcast %mul3A_283 : f32 to vector<512x1xf32>
    %mul3A_285 = arith.mulf %slice3A_282, %mul3A_284 : vector<512x1xf32>
    %slice3A_286 = vector.extract_strided_slice %dot_general3A_281 {offsets = [0, 1], sizes = [512, 1], strides = [1, 1]} : vector<512x3xf32> to vector<512x1xf32>
    %add3A_287 = arith.addf %mul3A_285, %slice3A_286 : vector<512x1xf32>
    %convert_element_type3A_288 = arith.fptosi %add3A_287 : vector<512x1xf32> to vector<512x1xi32>
    %mul3A_289 = arith.constant 2048 : i32
    %mul3A_290 = arith.muli %arg0, %mul3A_289 : i32
    %add3A_291 = vector.broadcast %mul3A_290 : i32 to vector<512x1xi32>
    %add3A_292 = arith.addi %convert_element_type3A_288, %add3A_291 : vector<512x1xi32>
    %reshape3A_293 = vector.shape_cast %add3A_292 : vector<512x1xi32> to vector<1x1x512xi32>
    %slice3A_294 = vector.extract_strided_slice %dot_general3A_281 {offsets = [0, 2], sizes = [512, 1], strides = [1, 1]} : vector<512x3xf32> to vector<512x1xf32>
    %reshape3A_295 = vector.shape_cast %slice3A_294 : vector<512x1xf32> to vector<1x512x1xf32>
    %slice3A_296 = vector.extract_strided_slice %or3A {offsets = [4, 0], sizes = [1, 2048], strides = [1, 1]} : vector<8x2048xi1> to vector<1x2048xi1>
    %convert_element_type3A_297 = arith.extui %slice3A_296 : vector<1x2048xi1> to vector<1x2048xi32>
    %convert_element_type3A_298 = arith.sitofp %convert_element_type3A_297 : vector<1x2048xi32> to vector<1x2048xf32>
    %reshape3A_299 = vector.shape_cast %convert_element_type3A_298 : vector<1x2048xf32> to vector<16x128xf32>
    %dot_general3A_300 = arith.constant dense<0.000000e+00> : vector<16x128xf32>
    %dot_general3A_301 = tpu.matmul %reshape3A_299, %convert_element_type3A_43, %dot_general3A_300 {dimension_numbers = #tpu.dot_dimension_numbers<[1], [0], [0], [1], [0, 0, 1, 1], [], []>, transpose_lhs_hint = false} : vector<16x128xf32>, vector<128x128xf32>, vector<16x128xf32> -> vector<16x128xf32>
    %slice3A_302 = vector.extract_strided_slice %dot_general3A_301 {offsets = [0, 127], sizes = [16, 1], strides = [1, 1]} : vector<16x128xf32> to vector<16x1xf32>
    %dot_general3A_303 = arith.constant dense<0.000000e+00> : vector<16x1xf32>
    %dot_general3A_304 = tpu.matmul %convert_element_type3A_48, %slice3A_302, %dot_general3A_303 {dimension_numbers = #tpu.dot_dimension_numbers<[1], [0], [0], [1], [0, 0, 1, 1], [], []>, precision = #tpu.contract_precision<fp32>, transpose_lhs_hint = false} : vector<16x16xf32>, vector<16x1xf32>, vector<16x1xf32> -> vector<16x1xf32>
    %add3A_305 = vector.broadcast %dot_general3A_304 : vector<16x1xf32> to vector<16x128xf32>
    %add3A_306 = arith.addf %dot_general3A_301, %add3A_305 : vector<16x128xf32>
    %sub3A_307 = arith.constant 1.000000e+00 : f32
    %sub3A_308 = vector.broadcast %sub3A_307 : f32 to vector<16x128xf32>
    %sub3A_309 = arith.subf %add3A_306, %sub3A_308 : vector<16x128xf32>
    %convert_element_type3A_310 = arith.fptosi %sub3A_309 : vector<16x128xf32> to vector<16x128xi32>
    %reshape3A_311 = vector.shape_cast %convert_element_type3A_310 : vector<16x128xi32> to vector<1x2048xi32>
    %eq3A_312 = vector.broadcast %iota3A_49 : vector<512x1xi32> to vector<512x2048xi32>
    %eq3A_313 = vector.broadcast %reshape3A_311 : vector<1x2048xi32> to vector<512x2048xi32>
    %eq3A_314 = arith.cmpi eq, %eq3A_312, %eq3A_313 : vector<512x2048xi32>
    %gt3A_315 = arith.constant 0.000000e+00 : f32
    %gt3A_316 = vector.broadcast %gt3A_315 : f32 to vector<1x2048xf32>
    %gt3A_317 = arith.cmpf ogt, %convert_element_type3A_298, %gt3A_316 : vector<1x2048xf32>
    %and3A_318 = vector.broadcast %gt3A_317 : vector<1x2048xi1> to vector<512x2048xi1>
    %and3A_319 = arith.andi %eq3A_314, %and3A_318 : vector<512x2048xi1>
    %jit3A_320 = arith.constant 1.000000e+00 : f32
    %jit3A_321 = arith.constant 0.000000e+00 : f32
    %broadcast_in_dim3A_322 = vector.broadcast %jit3A_320 : f32 to vector<512x2048xf32>
    %broadcast_in_dim3A_323 = vector.broadcast %jit3A_321 : f32 to vector<512x2048xf32>
    %select_n3A_324 = arith.select %and3A_319, %broadcast_in_dim3A_322, %broadcast_in_dim3A_323 : vector<512x2048xi1>, vector<512x2048xf32>
    %slice3A_325 = vector.extract_strided_slice %select_n3A {offsets = [4, 0], sizes = [1, 2048], strides = [1, 1]} : vector<8x2048xf32> to vector<1x2048xf32>
    %squeeze3A_326 = vector.shape_cast %slice3A_325 : vector<1x2048xf32> to vector<2048xf32>
    %reshape3A_327 = vector.shape_cast %squeeze3A_326 : vector<2048xf32> to vector<2048x1xf32>
    %concatenate3A_328 = tpu.concatenate %concatenate3A, %reshape3A_327 in 1 : vector<2048x2xf32>, vector<2048x1xf32> -> vector<2048x3xf32>
    %dot_general3A_329 = arith.constant dense<0.000000e+00> : vector<512x3xf32>
    %dot_general3A_330 = tpu.matmul %select_n3A_324, %concatenate3A_328, %dot_general3A_329 {dimension_numbers = #tpu.dot_dimension_numbers<[1], [0], [0], [1], [0, 0, 1, 1], [], []>, transpose_lhs_hint = false} : vector<512x2048xf32>, vector<2048x3xf32>, vector<512x3xf32> -> vector<512x3xf32>
    %slice3A_331 = vector.extract_strided_slice %dot_general3A_330 {offsets = [0, 0], sizes = [512, 1], strides = [1, 1]} : vector<512x3xf32> to vector<512x1xf32>
    %mul3A_332 = arith.constant 2.560000e+02 : f32
    %mul3A_333 = vector.broadcast %mul3A_332 : f32 to vector<512x1xf32>
    %mul3A_334 = arith.mulf %slice3A_331, %mul3A_333 : vector<512x1xf32>
    %slice3A_335 = vector.extract_strided_slice %dot_general3A_330 {offsets = [0, 1], sizes = [512, 1], strides = [1, 1]} : vector<512x3xf32> to vector<512x1xf32>
    %add3A_336 = arith.addf %mul3A_334, %slice3A_335 : vector<512x1xf32>
    %convert_element_type3A_337 = arith.fptosi %add3A_336 : vector<512x1xf32> to vector<512x1xi32>
    %mul3A_338 = arith.constant 2048 : i32
    %mul3A_339 = arith.muli %arg0, %mul3A_338 : i32
    %add3A_340 = vector.broadcast %mul3A_339 : i32 to vector<512x1xi32>
    %add3A_341 = arith.addi %convert_element_type3A_337, %add3A_340 : vector<512x1xi32>
    %reshape3A_342 = vector.shape_cast %add3A_341 : vector<512x1xi32> to vector<1x1x512xi32>
    %slice3A_343 = vector.extract_strided_slice %dot_general3A_330 {offsets = [0, 2], sizes = [512, 1], strides = [1, 1]} : vector<512x3xf32> to vector<512x1xf32>
    %reshape3A_344 = vector.shape_cast %slice3A_343 : vector<512x1xf32> to vector<1x512x1xf32>
    %slice3A_345 = vector.extract_strided_slice %or3A {offsets = [5, 0], sizes = [1, 2048], strides = [1, 1]} : vector<8x2048xi1> to vector<1x2048xi1>
    %convert_element_type3A_346 = arith.extui %slice3A_345 : vector<1x2048xi1> to vector<1x2048xi32>
    %convert_element_type3A_347 = arith.sitofp %convert_element_type3A_346 : vector<1x2048xi32> to vector<1x2048xf32>
    %reshape3A_348 = vector.shape_cast %convert_element_type3A_347 : vector<1x2048xf32> to vector<16x128xf32>
    %dot_general3A_349 = arith.constant dense<0.000000e+00> : vector<16x128xf32>
    %dot_general3A_350 = tpu.matmul %reshape3A_348, %convert_element_type3A_43, %dot_general3A_349 {dimension_numbers = #tpu.dot_dimension_numbers<[1], [0], [0], [1], [0, 0, 1, 1], [], []>, transpose_lhs_hint = false} : vector<16x128xf32>, vector<128x128xf32>, vector<16x128xf32> -> vector<16x128xf32>
    %slice3A_351 = vector.extract_strided_slice %dot_general3A_350 {offsets = [0, 127], sizes = [16, 1], strides = [1, 1]} : vector<16x128xf32> to vector<16x1xf32>
    %dot_general3A_352 = arith.constant dense<0.000000e+00> : vector<16x1xf32>
    %dot_general3A_353 = tpu.matmul %convert_element_type3A_48, %slice3A_351, %dot_general3A_352 {dimension_numbers = #tpu.dot_dimension_numbers<[1], [0], [0], [1], [0, 0, 1, 1], [], []>, precision = #tpu.contract_precision<fp32>, transpose_lhs_hint = false} : vector<16x16xf32>, vector<16x1xf32>, vector<16x1xf32> -> vector<16x1xf32>
    %add3A_354 = vector.broadcast %dot_general3A_353 : vector<16x1xf32> to vector<16x128xf32>
    %add3A_355 = arith.addf %dot_general3A_350, %add3A_354 : vector<16x128xf32>
    %sub3A_356 = arith.constant 1.000000e+00 : f32
    %sub3A_357 = vector.broadcast %sub3A_356 : f32 to vector<16x128xf32>
    %sub3A_358 = arith.subf %add3A_355, %sub3A_357 : vector<16x128xf32>
    %convert_element_type3A_359 = arith.fptosi %sub3A_358 : vector<16x128xf32> to vector<16x128xi32>
    %reshape3A_360 = vector.shape_cast %convert_element_type3A_359 : vector<16x128xi32> to vector<1x2048xi32>
    %eq3A_361 = vector.broadcast %iota3A_49 : vector<512x1xi32> to vector<512x2048xi32>
    %eq3A_362 = vector.broadcast %reshape3A_360 : vector<1x2048xi32> to vector<512x2048xi32>
    %eq3A_363 = arith.cmpi eq, %eq3A_361, %eq3A_362 : vector<512x2048xi32>
    %gt3A_364 = arith.constant 0.000000e+00 : f32
    %gt3A_365 = vector.broadcast %gt3A_364 : f32 to vector<1x2048xf32>
    %gt3A_366 = arith.cmpf ogt, %convert_element_type3A_347, %gt3A_365 : vector<1x2048xf32>
    %and3A_367 = vector.broadcast %gt3A_366 : vector<1x2048xi1> to vector<512x2048xi1>
    %and3A_368 = arith.andi %eq3A_363, %and3A_367 : vector<512x2048xi1>
    %jit3A_369 = arith.constant 1.000000e+00 : f32
    %jit3A_370 = arith.constant 0.000000e+00 : f32
    %broadcast_in_dim3A_371 = vector.broadcast %jit3A_369 : f32 to vector<512x2048xf32>
    %broadcast_in_dim3A_372 = vector.broadcast %jit3A_370 : f32 to vector<512x2048xf32>
    %select_n3A_373 = arith.select %and3A_368, %broadcast_in_dim3A_371, %broadcast_in_dim3A_372 : vector<512x2048xi1>, vector<512x2048xf32>
    %slice3A_374 = vector.extract_strided_slice %select_n3A {offsets = [5, 0], sizes = [1, 2048], strides = [1, 1]} : vector<8x2048xf32> to vector<1x2048xf32>
    %squeeze3A_375 = vector.shape_cast %slice3A_374 : vector<1x2048xf32> to vector<2048xf32>
    %reshape3A_376 = vector.shape_cast %squeeze3A_375 : vector<2048xf32> to vector<2048x1xf32>
    %concatenate3A_377 = tpu.concatenate %concatenate3A, %reshape3A_376 in 1 : vector<2048x2xf32>, vector<2048x1xf32> -> vector<2048x3xf32>
    %dot_general3A_378 = arith.constant dense<0.000000e+00> : vector<512x3xf32>
    %dot_general3A_379 = tpu.matmul %select_n3A_373, %concatenate3A_377, %dot_general3A_378 {dimension_numbers = #tpu.dot_dimension_numbers<[1], [0], [0], [1], [0, 0, 1, 1], [], []>, transpose_lhs_hint = false} : vector<512x2048xf32>, vector<2048x3xf32>, vector<512x3xf32> -> vector<512x3xf32>
    %slice3A_380 = vector.extract_strided_slice %dot_general3A_379 {offsets = [0, 0], sizes = [512, 1], strides = [1, 1]} : vector<512x3xf32> to vector<512x1xf32>
    %mul3A_381 = arith.constant 2.560000e+02 : f32
    %mul3A_382 = vector.broadcast %mul3A_381 : f32 to vector<512x1xf32>
    %mul3A_383 = arith.mulf %slice3A_380, %mul3A_382 : vector<512x1xf32>
    %slice3A_384 = vector.extract_strided_slice %dot_general3A_379 {offsets = [0, 1], sizes = [512, 1], strides = [1, 1]} : vector<512x3xf32> to vector<512x1xf32>
    %add3A_385 = arith.addf %mul3A_383, %slice3A_384 : vector<512x1xf32>
    %convert_element_type3A_386 = arith.fptosi %add3A_385 : vector<512x1xf32> to vector<512x1xi32>
    %mul3A_387 = arith.constant 2048 : i32
    %mul3A_388 = arith.muli %arg0, %mul3A_387 : i32
    %add3A_389 = vector.broadcast %mul3A_388 : i32 to vector<512x1xi32>
    %add3A_390 = arith.addi %convert_element_type3A_386, %add3A_389 : vector<512x1xi32>
    %reshape3A_391 = vector.shape_cast %add3A_390 : vector<512x1xi32> to vector<1x1x512xi32>
    %slice3A_392 = vector.extract_strided_slice %dot_general3A_379 {offsets = [0, 2], sizes = [512, 1], strides = [1, 1]} : vector<512x3xf32> to vector<512x1xf32>
    %reshape3A_393 = vector.shape_cast %slice3A_392 : vector<512x1xf32> to vector<1x512x1xf32>
    %slice3A_394 = vector.extract_strided_slice %or3A {offsets = [6, 0], sizes = [1, 2048], strides = [1, 1]} : vector<8x2048xi1> to vector<1x2048xi1>
    %convert_element_type3A_395 = arith.extui %slice3A_394 : vector<1x2048xi1> to vector<1x2048xi32>
    %convert_element_type3A_396 = arith.sitofp %convert_element_type3A_395 : vector<1x2048xi32> to vector<1x2048xf32>
    %reshape3A_397 = vector.shape_cast %convert_element_type3A_396 : vector<1x2048xf32> to vector<16x128xf32>
    %dot_general3A_398 = arith.constant dense<0.000000e+00> : vector<16x128xf32>
    %dot_general3A_399 = tpu.matmul %reshape3A_397, %convert_element_type3A_43, %dot_general3A_398 {dimension_numbers = #tpu.dot_dimension_numbers<[1], [0], [0], [1], [0, 0, 1, 1], [], []>, transpose_lhs_hint = false} : vector<16x128xf32>, vector<128x128xf32>, vector<16x128xf32> -> vector<16x128xf32>
    %slice3A_400 = vector.extract_strided_slice %dot_general3A_399 {offsets = [0, 127], sizes = [16, 1], strides = [1, 1]} : vector<16x128xf32> to vector<16x1xf32>
    %dot_general3A_401 = arith.constant dense<0.000000e+00> : vector<16x1xf32>
    %dot_general3A_402 = tpu.matmul %convert_element_type3A_48, %slice3A_400, %dot_general3A_401 {dimension_numbers = #tpu.dot_dimension_numbers<[1], [0], [0], [1], [0, 0, 1, 1], [], []>, precision = #tpu.contract_precision<fp32>, transpose_lhs_hint = false} : vector<16x16xf32>, vector<16x1xf32>, vector<16x1xf32> -> vector<16x1xf32>
    %add3A_403 = vector.broadcast %dot_general3A_402 : vector<16x1xf32> to vector<16x128xf32>
    %add3A_404 = arith.addf %dot_general3A_399, %add3A_403 : vector<16x128xf32>
    %sub3A_405 = arith.constant 1.000000e+00 : f32
    %sub3A_406 = vector.broadcast %sub3A_405 : f32 to vector<16x128xf32>
    %sub3A_407 = arith.subf %add3A_404, %sub3A_406 : vector<16x128xf32>
    %convert_element_type3A_408 = arith.fptosi %sub3A_407 : vector<16x128xf32> to vector<16x128xi32>
    %reshape3A_409 = vector.shape_cast %convert_element_type3A_408 : vector<16x128xi32> to vector<1x2048xi32>
    %eq3A_410 = vector.broadcast %iota3A_49 : vector<512x1xi32> to vector<512x2048xi32>
    %eq3A_411 = vector.broadcast %reshape3A_409 : vector<1x2048xi32> to vector<512x2048xi32>
    %eq3A_412 = arith.cmpi eq, %eq3A_410, %eq3A_411 : vector<512x2048xi32>
    %gt3A_413 = arith.constant 0.000000e+00 : f32
    %gt3A_414 = vector.broadcast %gt3A_413 : f32 to vector<1x2048xf32>
    %gt3A_415 = arith.cmpf ogt, %convert_element_type3A_396, %gt3A_414 : vector<1x2048xf32>
    %and3A_416 = vector.broadcast %gt3A_415 : vector<1x2048xi1> to vector<512x2048xi1>
    %and3A_417 = arith.andi %eq3A_412, %and3A_416 : vector<512x2048xi1>
    %jit3A_418 = arith.constant 1.000000e+00 : f32
    %jit3A_419 = arith.constant 0.000000e+00 : f32
    %broadcast_in_dim3A_420 = vector.broadcast %jit3A_418 : f32 to vector<512x2048xf32>
    %broadcast_in_dim3A_421 = vector.broadcast %jit3A_419 : f32 to vector<512x2048xf32>
    %select_n3A_422 = arith.select %and3A_417, %broadcast_in_dim3A_420, %broadcast_in_dim3A_421 : vector<512x2048xi1>, vector<512x2048xf32>
    %slice3A_423 = vector.extract_strided_slice %select_n3A {offsets = [6, 0], sizes = [1, 2048], strides = [1, 1]} : vector<8x2048xf32> to vector<1x2048xf32>
    %squeeze3A_424 = vector.shape_cast %slice3A_423 : vector<1x2048xf32> to vector<2048xf32>
    %reshape3A_425 = vector.shape_cast %squeeze3A_424 : vector<2048xf32> to vector<2048x1xf32>
    %concatenate3A_426 = tpu.concatenate %concatenate3A, %reshape3A_425 in 1 : vector<2048x2xf32>, vector<2048x1xf32> -> vector<2048x3xf32>
    %dot_general3A_427 = arith.constant dense<0.000000e+00> : vector<512x3xf32>
    %dot_general3A_428 = tpu.matmul %select_n3A_422, %concatenate3A_426, %dot_general3A_427 {dimension_numbers = #tpu.dot_dimension_numbers<[1], [0], [0], [1], [0, 0, 1, 1], [], []>, transpose_lhs_hint = false} : vector<512x2048xf32>, vector<2048x3xf32>, vector<512x3xf32> -> vector<512x3xf32>
    %slice3A_429 = vector.extract_strided_slice %dot_general3A_428 {offsets = [0, 0], sizes = [512, 1], strides = [1, 1]} : vector<512x3xf32> to vector<512x1xf32>
    %mul3A_430 = arith.constant 2.560000e+02 : f32
    %mul3A_431 = vector.broadcast %mul3A_430 : f32 to vector<512x1xf32>
    %mul3A_432 = arith.mulf %slice3A_429, %mul3A_431 : vector<512x1xf32>
    %slice3A_433 = vector.extract_strided_slice %dot_general3A_428 {offsets = [0, 1], sizes = [512, 1], strides = [1, 1]} : vector<512x3xf32> to vector<512x1xf32>
    %add3A_434 = arith.addf %mul3A_432, %slice3A_433 : vector<512x1xf32>
    %convert_element_type3A_435 = arith.fptosi %add3A_434 : vector<512x1xf32> to vector<512x1xi32>
    %mul3A_436 = arith.constant 2048 : i32
    %mul3A_437 = arith.muli %arg0, %mul3A_436 : i32
    %add3A_438 = vector.broadcast %mul3A_437 : i32 to vector<512x1xi32>
    %add3A_439 = arith.addi %convert_element_type3A_435, %add3A_438 : vector<512x1xi32>
    %reshape3A_440 = vector.shape_cast %add3A_439 : vector<512x1xi32> to vector<1x1x512xi32>
    %slice3A_441 = vector.extract_strided_slice %dot_general3A_428 {offsets = [0, 2], sizes = [512, 1], strides = [1, 1]} : vector<512x3xf32> to vector<512x1xf32>
    %reshape3A_442 = vector.shape_cast %slice3A_441 : vector<512x1xf32> to vector<1x512x1xf32>
    %slice3A_443 = vector.extract_strided_slice %or3A {offsets = [7, 0], sizes = [1, 2048], strides = [1, 1]} : vector<8x2048xi1> to vector<1x2048xi1>
    %convert_element_type3A_444 = arith.extui %slice3A_443 : vector<1x2048xi1> to vector<1x2048xi32>
    %convert_element_type3A_445 = arith.sitofp %convert_element_type3A_444 : vector<1x2048xi32> to vector<1x2048xf32>
    %reshape3A_446 = vector.shape_cast %convert_element_type3A_445 : vector<1x2048xf32> to vector<16x128xf32>
    %dot_general3A_447 = arith.constant dense<0.000000e+00> : vector<16x128xf32>
    %dot_general3A_448 = tpu.matmul %reshape3A_446, %convert_element_type3A_43, %dot_general3A_447 {dimension_numbers = #tpu.dot_dimension_numbers<[1], [0], [0], [1], [0, 0, 1, 1], [], []>, transpose_lhs_hint = false} : vector<16x128xf32>, vector<128x128xf32>, vector<16x128xf32> -> vector<16x128xf32>
    %slice3A_449 = vector.extract_strided_slice %dot_general3A_448 {offsets = [0, 127], sizes = [16, 1], strides = [1, 1]} : vector<16x128xf32> to vector<16x1xf32>
    %dot_general3A_450 = arith.constant dense<0.000000e+00> : vector<16x1xf32>
    %dot_general3A_451 = tpu.matmul %convert_element_type3A_48, %slice3A_449, %dot_general3A_450 {dimension_numbers = #tpu.dot_dimension_numbers<[1], [0], [0], [1], [0, 0, 1, 1], [], []>, precision = #tpu.contract_precision<fp32>, transpose_lhs_hint = false} : vector<16x16xf32>, vector<16x1xf32>, vector<16x1xf32> -> vector<16x1xf32>
    %add3A_452 = vector.broadcast %dot_general3A_451 : vector<16x1xf32> to vector<16x128xf32>
    %add3A_453 = arith.addf %dot_general3A_448, %add3A_452 : vector<16x128xf32>
    %sub3A_454 = arith.constant 1.000000e+00 : f32
    %sub3A_455 = vector.broadcast %sub3A_454 : f32 to vector<16x128xf32>
    %sub3A_456 = arith.subf %add3A_453, %sub3A_455 : vector<16x128xf32>
    %convert_element_type3A_457 = arith.fptosi %sub3A_456 : vector<16x128xf32> to vector<16x128xi32>
    %reshape3A_458 = vector.shape_cast %convert_element_type3A_457 : vector<16x128xi32> to vector<1x2048xi32>
    %eq3A_459 = vector.broadcast %iota3A_49 : vector<512x1xi32> to vector<512x2048xi32>
    %eq3A_460 = vector.broadcast %reshape3A_458 : vector<1x2048xi32> to vector<512x2048xi32>
    %eq3A_461 = arith.cmpi eq, %eq3A_459, %eq3A_460 : vector<512x2048xi32>
    %gt3A_462 = arith.constant 0.000000e+00 : f32
    %gt3A_463 = vector.broadcast %gt3A_462 : f32 to vector<1x2048xf32>
    %gt3A_464 = arith.cmpf ogt, %convert_element_type3A_445, %gt3A_463 : vector<1x2048xf32>
    %and3A_465 = vector.broadcast %gt3A_464 : vector<1x2048xi1> to vector<512x2048xi1>
    %and3A_466 = arith.andi %eq3A_461, %and3A_465 : vector<512x2048xi1>
    %jit3A_467 = arith.constant 1.000000e+00 : f32
    %jit3A_468 = arith.constant 0.000000e+00 : f32
    %broadcast_in_dim3A_469 = vector.broadcast %jit3A_467 : f32 to vector<512x2048xf32>
    %broadcast_in_dim3A_470 = vector.broadcast %jit3A_468 : f32 to vector<512x2048xf32>
    %select_n3A_471 = arith.select %and3A_466, %broadcast_in_dim3A_469, %broadcast_in_dim3A_470 : vector<512x2048xi1>, vector<512x2048xf32>
    %slice3A_472 = vector.extract_strided_slice %select_n3A {offsets = [7, 0], sizes = [1, 2048], strides = [1, 1]} : vector<8x2048xf32> to vector<1x2048xf32>
    %squeeze3A_473 = vector.shape_cast %slice3A_472 : vector<1x2048xf32> to vector<2048xf32>
    %reshape3A_474 = vector.shape_cast %squeeze3A_473 : vector<2048xf32> to vector<2048x1xf32>
    %concatenate3A_475 = tpu.concatenate %concatenate3A, %reshape3A_474 in 1 : vector<2048x2xf32>, vector<2048x1xf32> -> vector<2048x3xf32>
    %dot_general3A_476 = arith.constant dense<0.000000e+00> : vector<512x3xf32>
    %dot_general3A_477 = tpu.matmul %select_n3A_471, %concatenate3A_475, %dot_general3A_476 {dimension_numbers = #tpu.dot_dimension_numbers<[1], [0], [0], [1], [0, 0, 1, 1], [], []>, transpose_lhs_hint = false} : vector<512x2048xf32>, vector<2048x3xf32>, vector<512x3xf32> -> vector<512x3xf32>
    %slice3A_478 = vector.extract_strided_slice %dot_general3A_477 {offsets = [0, 0], sizes = [512, 1], strides = [1, 1]} : vector<512x3xf32> to vector<512x1xf32>
    %mul3A_479 = arith.constant 2.560000e+02 : f32
    %mul3A_480 = vector.broadcast %mul3A_479 : f32 to vector<512x1xf32>
    %mul3A_481 = arith.mulf %slice3A_478, %mul3A_480 : vector<512x1xf32>
    %slice3A_482 = vector.extract_strided_slice %dot_general3A_477 {offsets = [0, 1], sizes = [512, 1], strides = [1, 1]} : vector<512x3xf32> to vector<512x1xf32>
    %add3A_483 = arith.addf %mul3A_481, %slice3A_482 : vector<512x1xf32>
    %convert_element_type3A_484 = arith.fptosi %add3A_483 : vector<512x1xf32> to vector<512x1xi32>
    %mul3A_485 = arith.constant 2048 : i32
    %mul3A_486 = arith.muli %arg0, %mul3A_485 : i32
    %add3A_487 = vector.broadcast %mul3A_486 : i32 to vector<512x1xi32>
    %add3A_488 = arith.addi %convert_element_type3A_484, %add3A_487 : vector<512x1xi32>
    %reshape3A_489 = vector.shape_cast %add3A_488 : vector<512x1xi32> to vector<1x1x512xi32>
    %slice3A_490 = vector.extract_strided_slice %dot_general3A_477 {offsets = [0, 2], sizes = [512, 1], strides = [1, 1]} : vector<512x3xf32> to vector<512x1xf32>
    %reshape3A_491 = vector.shape_cast %slice3A_490 : vector<512x1xf32> to vector<1x512x1xf32>
    %concatenate3A_492 = tpu.concatenate %reshape3A_146, %reshape3A_195, %reshape3A_244, %reshape3A_293, %reshape3A_342, %reshape3A_391, %reshape3A_440, %reshape3A_489 in 0 : vector<1x1x512xi32>, vector<1x1x512xi32>, vector<1x1x512xi32>, vector<1x1x512xi32>, vector<1x1x512xi32>, vector<1x1x512xi32>, vector<1x1x512xi32>, vector<1x1x512xi32> -> vector<8x1x512xi32>
    %swap3A = arith.constant 0 : index
    %swap3A_493 = arith.constant 0 : index
    %swap3A_494 = arith.constant 0 : index
    %swap3A_495 = arith.constant 0 : index
    %swap3A_496 = vector.load %arg3[%swap3A, %swap3A_493, %swap3A_494, %swap3A_495] : memref<1x8x1x512xi32, #tpu.memory_space<vmem>>, vector<1x8x1x512xi32>
    %swap3A_497 = vector.shape_cast %swap3A_496 : vector<1x8x1x512xi32> to vector<8x1x512xi32>
    %swap3A_498 = vector.shape_cast %concatenate3A_492 : vector<8x1x512xi32> to vector<1x8x1x512xi32>
    tpu.vector_store %arg3[%swap3A, %swap3A_493, %swap3A_494, %swap3A_495], %swap3A_498 {strides = array<i32>} : memref<1x8x1x512xi32, #tpu.memory_space<vmem>>, vector<1x8x1x512xi32>,
    %concatenate3A_499 = tpu.concatenate %reshape3A_148, %reshape3A_197, %reshape3A_246, %reshape3A_295, %reshape3A_344, %reshape3A_393, %reshape3A_442, %reshape3A_491 in 0 : vector<1x512x1xf32>, vector<1x512x1xf32>, vector<1x512x1xf32>, vector<1x512x1xf32>, vector<1x512x1xf32>, vector<1x512x1xf32>, vector<1x512x1xf32>, vector<1x512x1xf32> -> vector<8x512x1xf32>
    %swap3A_500 = arith.constant 0 : index
    %swap3A_501 = arith.constant 0 : index
    %swap3A_502 = arith.constant 0 : index
    %swap3A_503 = arith.constant 0 : index
    %swap3A_504 = vector.load %arg4[%swap3A_500, %swap3A_501, %swap3A_502, %swap3A_503] : memref<1x8x512x1xf32, #tpu.memory_space<vmem>>, vector<1x8x512x1xf32>
    %swap3A_505 = vector.shape_cast %swap3A_504 : vector<1x8x512x1xf32> to vector<8x512x1xf32>
    %swap3A_506 = vector.shape_cast %concatenate3A_499 : vector<8x512x1xf32> to vector<1x8x512x1xf32>
    tpu.vector_store %arg4[%swap3A_500, %swap3A_501, %swap3A_502, %swap3A_503], %swap3A_506 {strides = array<i32>} : memref<1x8x512x1xf32, #tpu.memory_space<vmem>>, vector<1x8x512x1xf32>,
    return
  }
  func.func @transform_0(%arg0: i32) -> (i32, i32) {
    %c0_i32 = arith.constant 0 : i32
    %c0_i32_0 = arith.constant 0 : i32
    %c0_i32_1 = arith.constant 0 : i32
    return %c0_i32, %c0_i32_0 : i32, i32
  }
  func.func @transform_1(%arg0: i32) -> (i32, i32, i32) {
    %c0_i32 = arith.constant 0 : i32
    %c0_i32_0 = arith.constant 0 : i32
    %c0_i32_1 = arith.constant 0 : i32
    return %arg0, %c0_i32, %c0_i32_0 : i32, i32, i32
  }
  func.func @transform_2(%arg0: i32) -> (i32, i32, i32, i32) {
    %c0_i32 = arith.constant 0 : i32
    %c0_i32_0 = arith.constant 0 : i32
    %c0_i32_1 = arith.constant 0 : i32
    %c0_i32_2 = arith.constant 0 : i32
    return %arg0, %c0_i32, %c0_i32_0, %c0_i32_1 : i32, i32, i32, i32
  }
  func.func @transform_3(%arg0: i32) -> (i32, i32, i32, i32) {
    %c0_i32 = arith.constant 0 : i32
    %c0_i32_0 = arith.constant 0 : i32
    %c0_i32_1 = arith.constant 0 : i32
    %c0_i32_2 = arith.constant 0 : i32
    return %arg0, %c0_i32, %c0_i32_0, %c0_i32_1 : i32, i32, i32, i32
  }
}

module attributes {stable_mosaic.version = 14 : i64} {
  func.func @_mlp_body(%arg0: i32, %arg1: i32, %arg2: memref<1x512x1024xf32, #tpu.memory_space<vmem>>, %arg3: memref<1x1x512x1xf32, #tpu.memory_space<vmem>>, %arg4: memref<1x1x1x512xi32, #tpu.memory_space<vmem>>, %arg5: memref<1x1024x1024xf32, #tpu.memory_space<vmem>>, %arg6: memref<1x1024x1024xf32, #tpu.memory_space<vmem>>, %arg7: memref<1x2048x1024xf32, #tpu.memory_space<vmem>>, %arg8: memref<512x1024xf32, #tpu.memory_space<vmem>>) attributes {dimension_semantics = [#tpu.dimension_semantics<arbitrary>, #tpu.dimension_semantics<arbitrary>], iteration_bounds = array<i64: 8, 2>, scalar_prefetch = 0 : i64, scratch_operands = 1 : i64, tpu.core_type = #tpu.core_type<tc>, window_params = [{transform_indices = @transform_0, window_bounds = array<i64: 1, 512, 1024>}, {transform_indices = @transform_1, window_bounds = array<i64: 1, 1, 512, 1>}, {transform_indices = @transform_2, window_bounds = array<i64: 1, 1, 1, 512>}, {transform_indices = @transform_3, window_bounds = array<i64: 1, 1024, 1024>}, {transform_indices = @transform_4, window_bounds = array<i64: 1, 1024, 1024>}, {pipeline_mode = #tpu.pipeline_mode<synchronous>, transform_indices = @transform_5, window_bounds = array<i64: 1, 2048, 1024>}]} {
    %eq3A = arith.constant 0 : i32
    %eq3A_0 = arith.cmpi eq, %arg0, %eq3A : i32
    %eq3A_1 = arith.constant 0 : i32
    %eq3A_2 = arith.cmpi eq, %arg1, %eq3A_1 : i32
    %and3A = arith.andi %eq3A_0, %eq3A_2 : i1
    %convert_element_type3A = arith.extui %and3A : i1 to i32
    %cond3A = arith.constant 0 : i32
    %cond3A_3 = arith.cmpi ne, %convert_element_type3A, %cond3A : i32
    scf.if %cond3A_3 {
      %broadcast_in_dim3A = arith.constant 0.000000e+00 : f32
      %broadcast_in_dim3A_45 = vector.broadcast %broadcast_in_dim3A : f32 to vector<1x2048x1024xf32>
      %swap3A = arith.constant 0 : index
      %swap3A_46 = arith.constant 0 : index
      %swap3A_47 = arith.constant 0 : index
      %swap3A_48 = vector.load %arg7[%swap3A, %swap3A_46, %swap3A_47] : memref<1x2048x1024xf32, #tpu.memory_space<vmem>>, vector<1x2048x1024xf32>
      tpu.vector_store %arg7[%swap3A, %swap3A_46, %swap3A_47], %broadcast_in_dim3A_45 {strides = array<i32>} : memref<1x2048x1024xf32, #tpu.memory_space<vmem>>, vector<1x2048x1024xf32>,
    } else {
    }
    %get3A = arith.constant 0 : index
    %get3A_4 = arith.constant 0 : index
    %get3A_5 = arith.constant 0 : index
    %get3A_6 = vector.load %arg2[%get3A, %get3A_4, %get3A_5] : memref<1x512x1024xf32, #tpu.memory_space<vmem>>, vector<1x512x1024xf32>
    %get3A_7 = vector.shape_cast %get3A_6 : vector<1x512x1024xf32> to vector<512x1024xf32>
    %get3A_8 = arith.constant 0 : index
    %get3A_9 = arith.constant 0 : index
    %get3A_10 = arith.constant 0 : index
    %get3A_11 = vector.load %arg5[%get3A_8, %get3A_9, %get3A_10] : memref<1x1024x1024xf32, #tpu.memory_space<vmem>>, vector<1x1024x1024xf32>
    %get3A_12 = vector.shape_cast %get3A_11 : vector<1x1024x1024xf32> to vector<1024x1024xf32>
    %get3A_13 = arith.constant 0 : index
    %get3A_14 = arith.constant 0 : index
    %get3A_15 = arith.constant 0 : index
    %get3A_16 = vector.load %arg6[%get3A_13, %get3A_14, %get3A_15] : memref<1x1024x1024xf32, #tpu.memory_space<vmem>>, vector<1x1024x1024xf32>
    %get3A_17 = vector.shape_cast %get3A_16 : vector<1x1024x1024xf32> to vector<1024x1024xf32>
    %convert_element_type3A_18 = arith.truncf %get3A_7 : vector<512x1024xf32> to vector<512x1024xbf16>
    %convert_element_type3A_19 = arith.truncf %get3A_12 : vector<1024x1024xf32> to vector<1024x1024xbf16>
    %dot_general3A = arith.constant dense<0.000000e+00> : vector<512x1024xf32>
    %dot_general3A_20 = tpu.matmul %convert_element_type3A_18, %convert_element_type3A_19, %dot_general3A {dimension_numbers = #tpu.dot_dimension_numbers<[1], [0], [0], [1], [0, 0, 1, 1], [], []>, transpose_lhs_hint = false} : vector<512x1024xbf16>, vector<1024x1024xbf16>, vector<512x1024xf32> -> vector<512x1024xf32>
    %neg3A = arith.constant 0.000000e+00 : f32
    %neg3A_21 = vector.broadcast %neg3A : f32 to vector<512x1024xf32>
    %neg3A_22 = arith.subf %neg3A_21, %dot_general3A_20 : vector<512x1024xf32>
    %exp3A = math.exp %neg3A_22 : vector<512x1024xf32>
    %add3A = arith.constant 1.000000e+00 : f32
    %add3A_23 = vector.broadcast %add3A : f32 to vector<512x1024xf32>
    %add3A_24 = arith.addf %add3A_23, %exp3A : vector<512x1024xf32>
    %div3A = arith.constant 1.000000e+00 : f32
    %div3A_25 = vector.broadcast %div3A : f32 to vector<512x1024xf32>
    %div3A_26 = arith.divf %div3A_25, %add3A_24 : vector<512x1024xf32>
    %mul3A = arith.mulf %dot_general3A_20, %div3A_26 : vector<512x1024xf32>
    %convert_element_type3A_27 = arith.truncf %mul3A : vector<512x1024xf32> to vector<512x1024xbf16>
    %convert_element_type3A_28 = arith.truncf %get3A_17 : vector<1024x1024xf32> to vector<1024x1024xbf16>
    %dot_general3A_29 = arith.constant dense<0.000000e+00> : vector<512x1024xf32>
    %dot_general3A_30 = tpu.matmul %convert_element_type3A_27, %convert_element_type3A_28, %dot_general3A_29 {dimension_numbers = #tpu.dot_dimension_numbers<[1], [0], [0], [1], [0, 0, 1, 1], [], []>, transpose_lhs_hint = false} : vector<512x1024xbf16>, vector<1024x1024xbf16>, vector<512x1024xf32> -> vector<512x1024xf32>
    %eq3A_31 = arith.constant 0 : i32
    %eq3A_32 = arith.cmpi eq, %arg1, %eq3A_31 : i32
    %convert_element_type3A_33 = arith.extui %eq3A_32 : i1 to i32
    %cond3A_34 = arith.constant 0 : i32
    %cond3A_35 = arith.cmpi ne, %convert_element_type3A_33, %cond3A_34 : i32
    scf.if %cond3A_35 {
      %swap3A = arith.constant 0 : index
      %swap3A_45 = arith.constant 0 : index
      %swap3A_46 = vector.load %arg8[%swap3A, %swap3A_45] : memref<512x1024xf32, #tpu.memory_space<vmem>>, vector<512x1024xf32>
      tpu.vector_store %arg8[%swap3A, %swap3A_45], %dot_general3A_30 {strides = array<i32>} : memref<512x1024xf32, #tpu.memory_space<vmem>>, vector<512x1024xf32>,
    } else {
    }
    %gt3A = arith.constant 0 : i32
    %gt3A_36 = arith.cmpi sgt, %arg1, %gt3A : i32
    %convert_element_type3A_37 = arith.extui %gt3A_36 : i1 to i32
    %cond3A_38 = arith.constant 0 : i32
    %cond3A_39 = arith.cmpi ne, %convert_element_type3A_37, %cond3A_38 : i32
    scf.if %cond3A_39 {
      %get3A_45 = arith.constant 0 : index
      %get3A_46 = arith.constant 0 : index
      %get3A_47 = vector.load %arg8[%get3A_45, %get3A_46] : memref<512x1024xf32, #tpu.memory_space<vmem>>, vector<512x1024xf32>
      %add3A_48 = arith.addf %get3A_47, %dot_general3A_30 : vector<512x1024xf32>
      %swap3A = arith.constant 0 : index
      %swap3A_49 = arith.constant 0 : index
      %swap3A_50 = vector.load %arg8[%swap3A, %swap3A_49] : memref<512x1024xf32, #tpu.memory_space<vmem>>, vector<512x1024xf32>
      tpu.vector_store %arg8[%swap3A, %swap3A_49], %add3A_48 {strides = array<i32>} : memref<512x1024xf32, #tpu.memory_space<vmem>>, vector<512x1024xf32>,
    } else {
    }
    %eq3A_40 = arith.constant 1 : i32
    %eq3A_41 = arith.cmpi eq, %arg1, %eq3A_40 : i32
    %convert_element_type3A_42 = arith.extui %eq3A_41 : i1 to i32
    %cond3A_43 = arith.constant 0 : i32
    %cond3A_44 = arith.cmpi ne, %convert_element_type3A_42, %cond3A_43 : i32
    scf.if %cond3A_44 {
      %get3A_45 = arith.constant 0 : index
      %get3A_46 = arith.constant 0 : index
      %get3A_47 = arith.constant 0 : index
      %get3A_48 = arith.constant 0 : index
      %get3A_49 = vector.load %arg3[%get3A_45, %get3A_46, %get3A_47, %get3A_48] : memref<1x1x512x1xf32, #tpu.memory_space<vmem>>, vector<1x1x512x1xf32>
      %get3A_50 = vector.shape_cast %get3A_49 : vector<1x1x512x1xf32> to vector<512x1xf32>
      %get3A_51 = arith.constant 0 : index
      %get3A_52 = arith.constant 0 : index
      %get3A_53 = vector.load %arg8[%get3A_51, %get3A_52] : memref<512x1024xf32, #tpu.memory_space<vmem>>, vector<512x1024xf32>
      %mul3A_54 = vector.broadcast %get3A_50 : vector<512x1xf32> to vector<512x1024xf32>
      %mul3A_55 = arith.mulf %get3A_53, %mul3A_54 : vector<512x1024xf32>
      %convert_element_type3A_56 = arith.truncf %mul3A_55 : vector<512x1024xf32> to vector<512x1024xbf16>
      %get3A_57 = arith.constant 0 : index
      %get3A_58 = arith.constant 0 : index
      %get3A_59 = arith.constant 0 : index
      %get3A_60 = arith.constant 0 : index
      %get3A_61 = vector.load %arg4[%get3A_57, %get3A_58, %get3A_59, %get3A_60] : memref<1x1x1x512xi32, #tpu.memory_space<vmem>>, vector<1x1x1x512xi32>
      %get3A_62 = vector.shape_cast %get3A_61 : vector<1x1x1x512xi32> to vector<1x512xi32>
      %iota3A = tpu.iota {dimensions = array<i32: 0>} : vector<2048x1xi32>
      %add3A_63 = arith.constant 0 : i32
      %add3A_64 = vector.broadcast %add3A_63 : i32 to vector<2048x1xi32>
      %add3A_65 = arith.addi %iota3A, %add3A_64 : vector<2048x1xi32>
      %eq3A_66 = vector.broadcast %add3A_65 : vector<2048x1xi32> to vector<2048x512xi32>
      %eq3A_67 = vector.broadcast %get3A_62 : vector<1x512xi32> to vector<2048x512xi32>
      %eq3A_68 = arith.cmpi eq, %eq3A_66, %eq3A_67 : vector<2048x512xi32>
      %jit3A = arith.constant 1.000000e+00 : f32
      %jit3A_69 = arith.constant 0.000000e+00 : f32
      %broadcast_in_dim3A = vector.broadcast %jit3A : f32 to vector<2048x512xf32>
      %broadcast_in_dim3A_70 = vector.broadcast %jit3A_69 : f32 to vector<2048x512xf32>
      %select_n3A = arith.select %eq3A_68, %broadcast_in_dim3A, %broadcast_in_dim3A_70 : vector<2048x512xi1>, vector<2048x512xf32>
      %convert_element_type3A_71 = arith.truncf %select_n3A : vector<2048x512xf32> to vector<2048x512xbf16>
      %get3A_72 = arith.constant 0 : index
      %get3A_73 = arith.constant 0 : index
      %get3A_74 = arith.constant 0 : index
      %get3A_75 = vector.load %arg7[%get3A_72, %get3A_73, %get3A_74] : memref<1x2048x1024xf32, #tpu.memory_space<vmem>>, vector<1x2048x1024xf32>
      %get3A_76 = vector.shape_cast %get3A_75 : vector<1x2048x1024xf32> to vector<2048x1024xf32>
      %dot_general3A_77 = arith.constant dense<0.000000e+00> : vector<2048x1024xf32>
      %dot_general3A_78 = tpu.matmul %convert_element_type3A_71, %convert_element_type3A_56, %dot_general3A_77 {dimension_numbers = #tpu.dot_dimension_numbers<[1], [0], [0], [1], [0, 0, 1, 1], [], []>, transpose_lhs_hint = false} : vector<2048x512xbf16>, vector<512x1024xbf16>, vector<2048x1024xf32> -> vector<2048x1024xf32>
      %add3A_79 = arith.addf %get3A_76, %dot_general3A_78 : vector<2048x1024xf32>
      %swap3A = arith.constant 0 : index
      %swap3A_80 = arith.constant 0 : index
      %swap3A_81 = arith.constant 0 : index
      %swap3A_82 = vector.load %arg7[%swap3A, %swap3A_80, %swap3A_81] : memref<1x2048x1024xf32, #tpu.memory_space<vmem>>, vector<1x2048x1024xf32>
      %swap3A_83 = vector.shape_cast %swap3A_82 : vector<1x2048x1024xf32> to vector<2048x1024xf32>
      %swap3A_84 = vector.shape_cast %add3A_79 : vector<2048x1024xf32> to vector<1x2048x1024xf32>
      tpu.vector_store %arg7[%swap3A, %swap3A_80, %swap3A_81], %swap3A_84 {strides = array<i32>} : memref<1x2048x1024xf32, #tpu.memory_space<vmem>>, vector<1x2048x1024xf32>,
    } else {
    }
    return
  }
  func.func @transform_0(%arg0: i32, %arg1: i32) -> (i32, i32, i32) {
    %c0_i32 = arith.constant 0 : i32
    %c0_i32_0 = arith.constant 0 : i32
    %c0_i32_1 = arith.constant 0 : i32
    return %arg0, %c0_i32, %c0_i32_0 : i32, i32, i32
  }
  func.func @transform_1(%arg0: i32, %arg1: i32) -> (i32, i32, i32, i32) {
    %c0_i32 = arith.constant 0 : i32
    %c0_i32_0 = arith.constant 0 : i32
    %c0_i32_1 = arith.constant 0 : i32
    %c0_i32_2 = arith.constant 0 : i32
    return %c0_i32, %arg0, %c0_i32_0, %c0_i32_1 : i32, i32, i32, i32
  }
  func.func @transform_2(%arg0: i32, %arg1: i32) -> (i32, i32, i32, i32) {
    %c0_i32 = arith.constant 0 : i32
    %c0_i32_0 = arith.constant 0 : i32
    %c0_i32_1 = arith.constant 0 : i32
    %c0_i32_2 = arith.constant 0 : i32
    return %c0_i32, %arg0, %c0_i32_0, %c0_i32_1 : i32, i32, i32, i32
  }
  func.func @transform_3(%arg0: i32, %arg1: i32) -> (i32, i32, i32) {
    %c0_i32 = arith.constant 0 : i32
    %c0_i32_0 = arith.constant 0 : i32
    return %arg0, %c0_i32, %arg1 : i32, i32, i32
  }
  func.func @transform_4(%arg0: i32, %arg1: i32) -> (i32, i32, i32) {
    %c0_i32 = arith.constant 0 : i32
    %c0_i32_0 = arith.constant 0 : i32
    return %arg0, %arg1, %c0_i32 : i32, i32, i32
  }
  func.func @transform_5(%arg0: i32, %arg1: i32) -> (i32, i32, i32) {
    %c0_i32 = arith.constant 0 : i32
    %c0_i32_0 = arith.constant 0 : i32
    %c0_i32_1 = arith.constant 0 : i32
    %c0_i32_2 = arith.constant 0 : i32
    return %c0_i32, %c0_i32_0, %c0_i32_1 : i32, i32, i32
  }
}

module attributes {stable_mosaic.version = 14 : i64} {
  func.func @_mlp_body(%arg0: i32, %arg1: i32, %arg2: memref<1x512x1024xf32, #tpu.memory_space<vmem>>, %arg3: memref<1x1x512x1xf32, #tpu.memory_space<vmem>>, %arg4: memref<1x1x1x512xi32, #tpu.memory_space<vmem>>, %arg5: memref<1x1024x1024xf32, #tpu.memory_space<vmem>>, %arg6: memref<1x1024x1024xf32, #tpu.memory_space<vmem>>, %arg7: memref<1x2048x1024xf32, #tpu.memory_space<vmem>>, %arg8: memref<512x1024xf32, #tpu.memory_space<vmem>>) attributes {dimension_semantics = [#tpu.dimension_semantics<arbitrary>, #tpu.dimension_semantics<arbitrary>], iteration_bounds = array<i64: 8, 2>, scalar_prefetch = 0 : i64, scratch_operands = 1 : i64, tpu.core_type = #tpu.core_type<tc>, window_params = [{transform_indices = @transform_0, window_bounds = array<i64: 1, 512, 1024>}, {transform_indices = @transform_1, window_bounds = array<i64: 1, 1, 512, 1>}, {transform_indices = @transform_2, window_bounds = array<i64: 1, 1, 1, 512>}, {transform_indices = @transform_3, window_bounds = array<i64: 1, 1024, 1024>}, {transform_indices = @transform_4, window_bounds = array<i64: 1, 1024, 1024>}, {pipeline_mode = #tpu.pipeline_mode<synchronous>, transform_indices = @transform_5, window_bounds = array<i64: 1, 2048, 1024>}]} {
    %eq3A = arith.constant 0 : i32
    %eq3A_0 = arith.cmpi eq, %arg0, %eq3A : i32
    %eq3A_1 = arith.constant 0 : i32
    %eq3A_2 = arith.cmpi eq, %arg1, %eq3A_1 : i32
    %and3A = arith.andi %eq3A_0, %eq3A_2 : i1
    %convert_element_type3A = arith.extui %and3A : i1 to i32
    %cond3A = arith.constant 0 : i32
    %cond3A_3 = arith.cmpi ne, %convert_element_type3A, %cond3A : i32
    scf.if %cond3A_3 {
      %broadcast_in_dim3A = arith.constant 0.000000e+00 : f32
      %broadcast_in_dim3A_45 = vector.broadcast %broadcast_in_dim3A : f32 to vector<1x2048x1024xf32>
      %swap3A = arith.constant 0 : index
      %swap3A_46 = arith.constant 0 : index
      %swap3A_47 = arith.constant 0 : index
      %swap3A_48 = vector.load %arg7[%swap3A, %swap3A_46, %swap3A_47] : memref<1x2048x1024xf32, #tpu.memory_space<vmem>>, vector<1x2048x1024xf32>
      tpu.vector_store %arg7[%swap3A, %swap3A_46, %swap3A_47], %broadcast_in_dim3A_45 {strides = array<i32>} : memref<1x2048x1024xf32, #tpu.memory_space<vmem>>, vector<1x2048x1024xf32>,
    } else {
    }
    %get3A = arith.constant 0 : index
    %get3A_4 = arith.constant 0 : index
    %get3A_5 = arith.constant 0 : index
    %get3A_6 = vector.load %arg2[%get3A, %get3A_4, %get3A_5] : memref<1x512x1024xf32, #tpu.memory_space<vmem>>, vector<1x512x1024xf32>
    %get3A_7 = vector.shape_cast %get3A_6 : vector<1x512x1024xf32> to vector<512x1024xf32>
    %get3A_8 = arith.constant 0 : index
    %get3A_9 = arith.constant 0 : index
    %get3A_10 = arith.constant 0 : index
    %get3A_11 = vector.load %arg5[%get3A_8, %get3A_9, %get3A_10] : memref<1x1024x1024xf32, #tpu.memory_space<vmem>>, vector<1x1024x1024xf32>
    %get3A_12 = vector.shape_cast %get3A_11 : vector<1x1024x1024xf32> to vector<1024x1024xf32>
    %get3A_13 = arith.constant 0 : index
    %get3A_14 = arith.constant 0 : index
    %get3A_15 = arith.constant 0 : index
    %get3A_16 = vector.load %arg6[%get3A_13, %get3A_14, %get3A_15] : memref<1x1024x1024xf32, #tpu.memory_space<vmem>>, vector<1x1024x1024xf32>
    %get3A_17 = vector.shape_cast %get3A_16 : vector<1x1024x1024xf32> to vector<1024x1024xf32>
    %convert_element_type3A_18 = arith.truncf %get3A_7 : vector<512x1024xf32> to vector<512x1024xbf16>
    %convert_element_type3A_19 = arith.truncf %get3A_12 : vector<1024x1024xf32> to vector<1024x1024xbf16>
    %dot_general3A = arith.constant dense<0.000000e+00> : vector<512x1024xf32>
    %dot_general3A_20 = tpu.matmul %convert_element_type3A_18, %convert_element_type3A_19, %dot_general3A {dimension_numbers = #tpu.dot_dimension_numbers<[1], [0], [0], [1], [0, 0, 1, 1], [], []>, transpose_lhs_hint = false} : vector<512x1024xbf16>, vector<1024x1024xbf16>, vector<512x1024xf32> -> vector<512x1024xf32>
    %neg3A = arith.constant 0.000000e+00 : f32
    %neg3A_21 = vector.broadcast %neg3A : f32 to vector<512x1024xf32>
    %neg3A_22 = arith.subf %neg3A_21, %dot_general3A_20 : vector<512x1024xf32>
    %exp3A = math.exp %neg3A_22 : vector<512x1024xf32>
    %add3A = arith.constant 1.000000e+00 : f32
    %add3A_23 = vector.broadcast %add3A : f32 to vector<512x1024xf32>
    %add3A_24 = arith.addf %add3A_23, %exp3A : vector<512x1024xf32>
    %div3A = arith.constant 1.000000e+00 : f32
    %div3A_25 = vector.broadcast %div3A : f32 to vector<512x1024xf32>
    %div3A_26 = arith.divf %div3A_25, %add3A_24 : vector<512x1024xf32>
    %mul3A = arith.mulf %dot_general3A_20, %div3A_26 : vector<512x1024xf32>
    %convert_element_type3A_27 = arith.truncf %mul3A : vector<512x1024xf32> to vector<512x1024xbf16>
    %convert_element_type3A_28 = arith.truncf %get3A_17 : vector<1024x1024xf32> to vector<1024x1024xbf16>
    %dot_general3A_29 = arith.constant dense<0.000000e+00> : vector<512x1024xf32>
    %dot_general3A_30 = tpu.matmul %convert_element_type3A_27, %convert_element_type3A_28, %dot_general3A_29 {dimension_numbers = #tpu.dot_dimension_numbers<[1], [0], [0], [1], [0, 0, 1, 1], [], []>, transpose_lhs_hint = false} : vector<512x1024xbf16>, vector<1024x1024xbf16>, vector<512x1024xf32> -> vector<512x1024xf32>
    %eq3A_31 = arith.constant 0 : i32
    %eq3A_32 = arith.cmpi eq, %arg1, %eq3A_31 : i32
    %convert_element_type3A_33 = arith.extui %eq3A_32 : i1 to i32
    %cond3A_34 = arith.constant 0 : i32
    %cond3A_35 = arith.cmpi ne, %convert_element_type3A_33, %cond3A_34 : i32
    scf.if %cond3A_35 {
      %swap3A = arith.constant 0 : index
      %swap3A_45 = arith.constant 0 : index
      %swap3A_46 = vector.load %arg8[%swap3A, %swap3A_45] : memref<512x1024xf32, #tpu.memory_space<vmem>>, vector<512x1024xf32>
      tpu.vector_store %arg8[%swap3A, %swap3A_45], %dot_general3A_30 {strides = array<i32>} : memref<512x1024xf32, #tpu.memory_space<vmem>>, vector<512x1024xf32>,
    } else {
    }
    %gt3A = arith.constant 0 : i32
    %gt3A_36 = arith.cmpi sgt, %arg1, %gt3A : i32
    %convert_element_type3A_37 = arith.extui %gt3A_36 : i1 to i32
    %cond3A_38 = arith.constant 0 : i32
    %cond3A_39 = arith.cmpi ne, %convert_element_type3A_37, %cond3A_38 : i32
    scf.if %cond3A_39 {
      %get3A_45 = arith.constant 0 : index
      %get3A_46 = arith.constant 0 : index
      %get3A_47 = vector.load %arg8[%get3A_45, %get3A_46] : memref<512x1024xf32, #tpu.memory_space<vmem>>, vector<512x1024xf32>
      %add3A_48 = arith.addf %get3A_47, %dot_general3A_30 : vector<512x1024xf32>
      %swap3A = arith.constant 0 : index
      %swap3A_49 = arith.constant 0 : index
      %swap3A_50 = vector.load %arg8[%swap3A, %swap3A_49] : memref<512x1024xf32, #tpu.memory_space<vmem>>, vector<512x1024xf32>
      tpu.vector_store %arg8[%swap3A, %swap3A_49], %add3A_48 {strides = array<i32>} : memref<512x1024xf32, #tpu.memory_space<vmem>>, vector<512x1024xf32>,
    } else {
    }
    %eq3A_40 = arith.constant 1 : i32
    %eq3A_41 = arith.cmpi eq, %arg1, %eq3A_40 : i32
    %convert_element_type3A_42 = arith.extui %eq3A_41 : i1 to i32
    %cond3A_43 = arith.constant 0 : i32
    %cond3A_44 = arith.cmpi ne, %convert_element_type3A_42, %cond3A_43 : i32
    scf.if %cond3A_44 {
      %get3A_45 = arith.constant 0 : index
      %get3A_46 = arith.constant 0 : index
      %get3A_47 = arith.constant 0 : index
      %get3A_48 = arith.constant 0 : index
      %get3A_49 = vector.load %arg3[%get3A_45, %get3A_46, %get3A_47, %get3A_48] : memref<1x1x512x1xf32, #tpu.memory_space<vmem>>, vector<1x1x512x1xf32>
      %get3A_50 = vector.shape_cast %get3A_49 : vector<1x1x512x1xf32> to vector<512x1xf32>
      %get3A_51 = arith.constant 0 : index
      %get3A_52 = arith.constant 0 : index
      %get3A_53 = vector.load %arg8[%get3A_51, %get3A_52] : memref<512x1024xf32, #tpu.memory_space<vmem>>, vector<512x1024xf32>
      %mul3A_54 = vector.broadcast %get3A_50 : vector<512x1xf32> to vector<512x1024xf32>
      %mul3A_55 = arith.mulf %get3A_53, %mul3A_54 : vector<512x1024xf32>
      %convert_element_type3A_56 = arith.truncf %mul3A_55 : vector<512x1024xf32> to vector<512x1024xbf16>
      %get3A_57 = arith.constant 0 : index
      %get3A_58 = arith.constant 0 : index
      %get3A_59 = arith.constant 0 : index
      %get3A_60 = arith.constant 0 : index
      %get3A_61 = vector.load %arg4[%get3A_57, %get3A_58, %get3A_59, %get3A_60] : memref<1x1x1x512xi32, #tpu.memory_space<vmem>>, vector<1x1x1x512xi32>
      %get3A_62 = vector.shape_cast %get3A_61 : vector<1x1x1x512xi32> to vector<1x512xi32>
      %iota3A = tpu.iota {dimensions = array<i32: 0>} : vector<2048x1xi32>
      %add3A_63 = arith.constant 2048 : i32
      %add3A_64 = vector.broadcast %add3A_63 : i32 to vector<2048x1xi32>
      %add3A_65 = arith.addi %iota3A, %add3A_64 : vector<2048x1xi32>
      %eq3A_66 = vector.broadcast %add3A_65 : vector<2048x1xi32> to vector<2048x512xi32>
      %eq3A_67 = vector.broadcast %get3A_62 : vector<1x512xi32> to vector<2048x512xi32>
      %eq3A_68 = arith.cmpi eq, %eq3A_66, %eq3A_67 : vector<2048x512xi32>
      %jit3A = arith.constant 1.000000e+00 : f32
      %jit3A_69 = arith.constant 0.000000e+00 : f32
      %broadcast_in_dim3A = vector.broadcast %jit3A : f32 to vector<2048x512xf32>
      %broadcast_in_dim3A_70 = vector.broadcast %jit3A_69 : f32 to vector<2048x512xf32>
      %select_n3A = arith.select %eq3A_68, %broadcast_in_dim3A, %broadcast_in_dim3A_70 : vector<2048x512xi1>, vector<2048x512xf32>
      %convert_element_type3A_71 = arith.truncf %select_n3A : vector<2048x512xf32> to vector<2048x512xbf16>
      %get3A_72 = arith.constant 0 : index
      %get3A_73 = arith.constant 0 : index
      %get3A_74 = arith.constant 0 : index
      %get3A_75 = vector.load %arg7[%get3A_72, %get3A_73, %get3A_74] : memref<1x2048x1024xf32, #tpu.memory_space<vmem>>, vector<1x2048x1024xf32>
      %get3A_76 = vector.shape_cast %get3A_75 : vector<1x2048x1024xf32> to vector<2048x1024xf32>
      %dot_general3A_77 = arith.constant dense<0.000000e+00> : vector<2048x1024xf32>
      %dot_general3A_78 = tpu.matmul %convert_element_type3A_71, %convert_element_type3A_56, %dot_general3A_77 {dimension_numbers = #tpu.dot_dimension_numbers<[1], [0], [0], [1], [0, 0, 1, 1], [], []>, transpose_lhs_hint = false} : vector<2048x512xbf16>, vector<512x1024xbf16>, vector<2048x1024xf32> -> vector<2048x1024xf32>
      %add3A_79 = arith.addf %get3A_76, %dot_general3A_78 : vector<2048x1024xf32>
      %swap3A = arith.constant 0 : index
      %swap3A_80 = arith.constant 0 : index
      %swap3A_81 = arith.constant 0 : index
      %swap3A_82 = vector.load %arg7[%swap3A, %swap3A_80, %swap3A_81] : memref<1x2048x1024xf32, #tpu.memory_space<vmem>>, vector<1x2048x1024xf32>
      %swap3A_83 = vector.shape_cast %swap3A_82 : vector<1x2048x1024xf32> to vector<2048x1024xf32>
      %swap3A_84 = vector.shape_cast %add3A_79 : vector<2048x1024xf32> to vector<1x2048x1024xf32>
      tpu.vector_store %arg7[%swap3A, %swap3A_80, %swap3A_81], %swap3A_84 {strides = array<i32>} : memref<1x2048x1024xf32, #tpu.memory_space<vmem>>, vector<1x2048x1024xf32>,
    } else {
    }
    return
  }
  func.func @transform_0(%arg0: i32, %arg1: i32) -> (i32, i32, i32) {
    %c0_i32 = arith.constant 0 : i32
    %c0_i32_0 = arith.constant 0 : i32
    %c0_i32_1 = arith.constant 0 : i32
    return %arg0, %c0_i32, %c0_i32_0 : i32, i32, i32
  }
  func.func @transform_1(%arg0: i32, %arg1: i32) -> (i32, i32, i32, i32) {
    %c0_i32 = arith.constant 0 : i32
    %c0_i32_0 = arith.constant 0 : i32
    %c0_i32_1 = arith.constant 0 : i32
    %c0_i32_2 = arith.constant 0 : i32
    return %c0_i32, %arg0, %c0_i32_0, %c0_i32_1 : i32, i32, i32, i32
  }
  func.func @transform_2(%arg0: i32, %arg1: i32) -> (i32, i32, i32, i32) {
    %c0_i32 = arith.constant 0 : i32
    %c0_i32_0 = arith.constant 0 : i32
    %c0_i32_1 = arith.constant 0 : i32
    %c0_i32_2 = arith.constant 0 : i32
    return %c0_i32, %arg0, %c0_i32_0, %c0_i32_1 : i32, i32, i32, i32
  }
  func.func @transform_3(%arg0: i32, %arg1: i32) -> (i32, i32, i32) {
    %c0_i32 = arith.constant 0 : i32
    %c0_i32_0 = arith.constant 0 : i32
    return %arg0, %c0_i32, %arg1 : i32, i32, i32
  }
  func.func @transform_4(%arg0: i32, %arg1: i32) -> (i32, i32, i32) {
    %c0_i32 = arith.constant 0 : i32
    %c0_i32_0 = arith.constant 0 : i32
    return %arg0, %arg1, %c0_i32 : i32, i32, i32
  }
  func.func @transform_5(%arg0: i32, %arg1: i32) -> (i32, i32, i32) {
    %c0_i32 = arith.constant 0 : i32
    %c0_i32_0 = arith.constant 0 : i32
    %c0_i32_1 = arith.constant 0 : i32
    %c0_i32_2 = arith.constant 0 : i32
    return %c0_i32, %c0_i32_0, %c0_i32_1 : i32, i32, i32
  }
}

</mosaic_0001>

<sc_bundles>
// kernel: kernel.10.cloned.1.call-start
scs
__scs_entry_jumppad:
0x0: {  	(pc) =	sbr.rel $0x88, $3  }
0x1: {  	(tag) =	ssettag $0x0;
	lr =	simm.s32 $0x1  }
0x2: {  	[smem:$0x3F9D] =	sst lr;
	_ =	strace $0xD0000000  }
0x3: {  	_ = 	snop  }
0x4: {  	_ = 	snop  }
0x5: {  	_ = 	snop  }
0x6: {  	_ = 	snop  }
0x7: {  	_ = 	snop  }
__scs_overlays_trampoline_lowered:
0x8: {  	[smem:$0x3FAC] =	sst s0  }
0x9: {  	[smem:$0x3FAD] =	sst s1  }
0xa: {  	[smem:$0x3FAE] =	sst s2  }
0xb: {  	[smem:$0x3FAF] =	sst s3  }
0xc: {  	[smem:$0x3FB0] =	sst s4  }
0xd: {  	[smem:$0x3FB1] =	sst s5  }
0xe: {  	[smem:$0x3FB2] =	sst s6  }
0xf: {  	[smem:$0x3FB3] =	sst s7  }
0x10: {  	[smem:$0x3FB4] =	sst s8  }
0x11: {  	[smem:$0x3FB5] =	sst s9;
	s0 =	simm.s32 @!p0 $0x0  }
0x12: {  	s1 =	sld [smem:$0x3F9B];
	s0 =	simm.s32 @p0 $0x1  }
0x13: {  	[smem:$0x3FB6] =	sst s0;
	s0 =	simm.s32 @!p1 $0x0  }
0x14: {  	s2 =	sld [smem:$0x3F9A];
	s0 =	simm.s32 @p1 $0x1  }
0x15: {  	[smem:$0x3FB7] =	sst s0;
	s0 =	simm.s32 @!p2 $0x0  }
0x16: {  	s3 =	sld [smem:$0x3FDB];
	s0 =	simm.s32 @p2 $0x1  }
0x17: {  	s4 =	simm.s32 $0x1BF5;
	[smem:$0x3FB9] =	sst s0  }
0x18: {  	s0 =	sld [smem:$0x3F9C];
	_ =	swait.ge [sflag:s4], $0x0  }
0x19: {  	s7 =	sld [smem:$0x3F9D]  }
0x1a: {  	s8 =	sadd.s32 $0xFFFFE003, lr  }
0x1b: {  	s9 =	sadd.s32 $0xFFFFFEF7, lr;
	s5 =	simm.s32 $0xFFFFFFFF;
	p2 =	slt.u32 s8, $0xFFFFF086  }
0x1c: {  	p1 =	slt.u32 s9, $0xF7A;
	s5 =	simm.s32 @!p2 $0x0  }
0x1d: {  	s5 =	simm.s32 @p1 $0x1;
	p0 =	seq.s32 s7, s2  }
0x1e: {  	s7 =	smul.u32 @!p0 $0xF7A, s2;
	p2 =	seq.s32 @!p0 s5, $0x0  }
0x1f: {  	s9 =	smul.u32 $0xF7A, s1;
	s8 =	simm.s32 @!p0 $0x1BF5;
	p2 =	por !p2, p0  }
0x20: {  	[sflag:s8] =	ssyncset.s32 @!p0 $0xFFFFF086;
	s6 =	sadd.s32 @!p0 s3, s7;
	s7 =	simm.s32 @!p0 $0x108  }
0x21: {  	s3 =	sadd.s32 s3, s9;
	s6 =	sadd.s32 @!p0 $0x88, s6;
	s7 =	simm.s32 @p2 $0x1082  }
0x22: {  	[simem:s7], [sflag:s8] =	dma.local @!p0 [hbm:s6], $0xF7A  }
0x23: {  	s9 =	sor.u32 $0xD0000000, s2;
	s6 =	simm.s32 $0x108;
	_ =	swait.ge @!p0 [sflag:s8], $0x0  }
0x24: {  	s3 =	sadd.s32 $0x88, s3;
	s6 =	simm.s32 @!p1 $0x1082;
	[sflag:s4] =	ssyncset.s32 $0xFFFFF086  }
0x25: {  	[simem:s6], [sflag:s4] =	dma.local [hbm:s3], $0xF7A  }
0x26: {  	[smem:$0x3F9D] =	sst s1;
	(tag) =	ssettag s2;
	_ =	strace s9  }
0x27: {  	s1 =	sld [smem:$0x3FAD]  }
0x28: {  	s2 =	sld [smem:$0x3FAE]  }
0x29: {  	s4 =	sld [smem:$0x3FB0]  }
0x2a: {  	p0 =	seq.s32 s5, $0x0;
	s5 =	sld [smem:$0x3FB1]  }
0x2b: {  	s6 =	sld [smem:$0x3FB2]  }
0x2c: {  	s7 =	sld [smem:$0x3FB3]  }
0x2d: {  	s3 =	simm.s32 $0x108;
	s8 =	sld [smem:$0x3FB4]  }
0x2e: {  	s3 =	simm.s32 @!p0 $0x1082;
	s9 =	sld [smem:$0x3FB5]  }
0x2f: {  	lr =	sadd.s32 s0, s3;
	s0 =	sld [smem:$0x3FAC]  }
0x30: {  	s3 =	sld [smem:$0x3FAF]  }
0x31: {  	[smem:$0x3FB8] =	sst s10  }
0x32: {  	s10 =	sld [smem:$0x3FB6];
	_ =	sdelay $0x3  }
0x33: {  	p0 =	seq.s32 s10, $0x1;
	s10 =	sld [smem:$0x3FB8];
	_ =	sdelay $0x3  }
0x34: {  	[smem:$0x3FB8] =	sst s10  }
0x35: {  	s10 =	sld [smem:$0x3FB7];
	_ =	sdelay $0x3  }
0x36: {  	p1 =	seq.s32 s10, $0x1;
	s10 =	sld [smem:$0x3FB8];
	_ =	sdelay $0x3  }
0x37: {  	[smem:$0x3FB8] =	sst s10  }
0x38: {  	s10 =	sld [smem:$0x3FB9]  }
0x39: {  	_ = 	snop;
	(pc) =	sbr.ind lr, $3  }
0x3a: {  	_ = 	snop  }
0x3b: {  	_ = 	snop  }
0x3c: {  	p2 =	seq.s32 s10, $0x1;
	s10 =	sld [smem:$0x3FB8]  }
0x3d: {  	_ =	shalt  }
0x3e: {  	_ =	shalt  }
0x3f: {  	_ =	shalt  }
0x40: {  	_ =	shalt  }
0x41: {  	_ =	shalt  }
0x42: {  	_ =	shalt  }
0x43: {  	_ =	shalt  }
0x44: {  	_ =	shalt  }
0x45: {  	_ =	shalt  }
0x46: {  	_ =	shalt  }
0x47: {  	_ =	shalt  }
0x48: {  	_ =	shalt  }
0x49: {  	_ =	shalt  }
0x4a: {  	_ =	shalt  }
0x4b: {  	_ =	shalt  }
0x4c: {  	_ =	shalt  }
0x4d: {  	_ =	shalt  }
0x4e: {  	_ =	shalt  }
0x4f: {  	_ =	shalt  }
0x50: {  	_ =	shalt  }
0x51: {  	_ =	shalt  }
0x52: {  	_ =	shalt  }
0x53: {  	_ =	shalt  }
0x54: {  	_ =	shalt  }
0x55: {  	_ =	shalt  }
0x56: {  	_ =	shalt  }
0x57: {  	_ =	shalt  }
0x58: {  	_ =	shalt  }
0x59: {  	_ =	shalt  }
0x5a: {  	_ =	shalt  }
0x5b: {  	_ =	shalt  }
0x5c: {  	_ =	shalt  }
0x5d: {  	_ =	shalt  }
0x5e: {  	_ =	shalt  }
0x5f: {  	_ =	shalt  }
0x60: {  	_ =	shalt  }
0x61: {  	_ =	shalt  }
0x62: {  	_ =	shalt  }
0x63: {  	_ =	shalt  }
0x64: {  	_ =	shalt  }
0x65: {  	_ =	shalt  }
0x66: {  	_ =	shalt  }
0x67: {  	_ =	shalt  }
0x68: {  	_ =	shalt  }
0x69: {  	_ =	shalt  }
0x6a: {  	_ =	shalt  }
0x6b: {  	_ =	shalt  }
0x6c: {  	_ =	shalt  }
0x6d: {  	_ =	shalt  }
0x6e: {  	_ =	shalt  }
0x6f: {  	_ =	shalt  }
0x70: {  	_ =	shalt  }
0x71: {  	_ =	shalt  }
0x72: {  	_ =	shalt  }
0x73: {  	_ =	shalt  }
0x74: {  	_ =	shalt  }
0x75: {  	_ =	shalt  }
0x76: {  	_ =	shalt  }
0x77: {  	_ =	shalt  }
0x78: {  	_ =	shalt  }
0x79: {  	_ =	shalt  }
0x7a: {  	_ =	shalt  }
0x7b: {  	_ =	shalt  }
0x7c: {  	_ =	shalt  }
0x7d: {  	_ =	shalt  }
0x7e: {  	_ =	shalt  }
0x7f: {  	_ =	shalt  }
0x80: {  	_ =	shalt  }
0x81: {  	_ =	shalt  }
0x82: {  	_ =	shalt  }
0x83: {  	_ =	shalt  }
0x84: {  	_ =	shalt  }
0x85: {  	_ =	shalt  }
0x86: {  	_ =	shalt  }
0x87: {  	_ =	shalt  }
.Lfunc_end0:
.L_simem_size_0:
called_computation.1_lowered:
.L_overlay_start_0:
0x88: {  	s2 =	sld [smem:$0x3FD9]  }
0x89: {  	s3 =	sld [smem:$0x3FFE];
	_ =	sdelay $0x1  }
0x8a: {  	s1 =	srdreg.scid  }
0x8b: {  	s0 =	sand.u32 $0x1, s1  }
0x8c: {  	s17 =	sshll.u32 s0, $0xA;
	s2 =	sadd.s32 s3, s2  }
0x8d: {  	s2 =	sadd.s32 s2, s17  }
0x8e: {  	[smem:$0x3FC4] =	sst s2  }
0x8f: {  	_ = 	snop  }
0x90: {  	s18 =	sld [smem:$0x3FC9]  }
0x91: {  	s4 =	sld [smem:$0x3FD0];
	(tm) =	ssettm $0x1  }
0x92: {  	s19 =	sld [smem:$0x3FFB];
	_ =	sdelay $0x3  }
0x93: {  	_ =	strace s19  }
0x94: {  	s2 =	sld [smem:$0x3FFC];
	_ =	sdelay $0x3  }
0x95: {  	_ =	strace s2  }
0x96: {  	s2 =	sld [smem:$0x3FFD];
	_ =	sdelay $0x3  }
0x97: {  	_ =	strace s2  }
0x98: {  	_ =	strace $0x8FFFFFFF  }
0x99: {  	s20 =	sld [smem:$0x3FDB];
	_ =	sdelay $0x1  }
0x9a: {  	s5 =	simm.s32 $_scs_section_size  }
0x9b: {  	s6 =	simm.s32 $_size__tile_overlayer_lowered;
	s7 =	simm.s32 $_tile_overlayer_lowered  }
0x9c: {  	s8 =	simm.s32 $0x1BFF;
	s21 =	sshll.u32 s7, $0x1;
	s5 =	sadd.s32 s5, s20  }
0x9d: {  	s22 =	simm.s32 $0x0;
	s6 =	sshll.u32 s6, $0x1;
	s7 =	sadd.s32 s21, s5  }
0x9e: {  	[timem:s22], [sflag:s8] =	dma.local [hbm:s7], s6  }
0x9f: {  	_ =	swait.ge [sflag:s8], s6  }
0xa0: {  	s6 =	ssub.s32 $0x0, s6;
	[sflag:s8] =	ssyncset.done $0x0  }
0xa1: {  	[sflag:s8] =	ssyncadd.s32 s6;
	_ =	sdelay $0x1  }
0xa2: {  	s23 =	simm.s32 $0x1B8B  }
0xa3: {  	_ =	swait.ge [sflag:s23], $0x1  }
0xa4: {  	[sflag:s23] =	ssyncset.done $0x0  }
0xa5: {  	[sflag:s23] =	ssyncadd.s32 $0xFFFFFFFF  }
0xa6: {  	s6 =	sld [smem:$0x0]  }
0xa7: {  	s7 =	sand.u32 $0xFFFFFFFE, s1  }
0xa8: {  	p0 =	sne.s32 s1, s7  }
0xa9: {  	s7 =	sshll.u32 @p0 s7, $0xE  }
0xaa: {  	s7 =	sadd.s32 @p0 $0x11B8D, s7;
	s8 =	sshll.u32 @p0 s6, $0x11  }
0xab: {  	s7 =	sor.u32 @p0 s8, s7  }
0xac: {  	[sflag:s7] =	ssyncadd.remote.s32 @p0 $0x1;
	_ =	sdelay $0x1  }
0xad: {  	s7 =	simm.s32 @p0 $0x1B8D  }
0xae: {  	_ =	swait.eq @p0 [sflag:s7], $0x1  }
0xaf: {  	[sflag:s7] =	ssyncadd.s32 @p0 $0xFFFFFFFF  }
0xb0: {  	s8 =	sshll.u32 @!p0 s1, $0xE  }
0xb1: {  	s8 =	sor.u32 @!p0 $0x4000, s8;
	s7 =	simm.s32 @!p0 $0x1B8D  }
0xb2: {  	s6 =	sshll.u32 @!p0 s6, $0x11;
	s8 =	sadd.s32 @!p0 $0x11B8D, s8;
	_ =	swait.eq @!p0 [sflag:s7], $0x1  }
0xb3: {  	s6 =	sor.u32 @!p0 s6, s8;
	[sflag:s7] =	ssyncadd.s32 @!p0 $0xFFFFFFFF  }
0xb4: {  	s25 =	simm.s32 $0x1B8E;
	s24 =	sld [smem:$0x3FFE];
	[sflag:s6] =	ssyncadd.remote.s32 @!p0 $0x1  }
0xb5: {  	s26 =	simm.s32 $execute0_lowered;
	[smem:$0x3FD2] =	sst s25  }
0xb6: {  	s7 =	sshll.u32 s26, $0x1;
	_ =	strace $0x80000049;
	[dreg:$0x1] =	wrdreg $0xFFFFFFFF  }
0xb7: {  	s28 =	simm.s32 $_size_execute0_lowered;
	s5 =	sadd.s32 s5, s7;
	[dreg:$0x0] =	wrdreg $0x0  }
0xb8: {  	s7 =	sshll.u32 s28, $0x1;
	[dreg:$0x2] =	wrdreg s5  }
0xb9: {  	[dreg:$0x3] =	wrdreg s7  }
0xba: {  	[dreg:$0x4] =	wrdreg $0xC0  }
0xbb: {  	_ =	task [dreg:s22], $0x5FFFF  }
0xbc: {  	[dreg:$0x1] =	wrdreg $0xFFFFFFFF  }
0xbd: {  	[dreg:$0x0] =	wrdreg $0x60  }
0xbe: {  	[dreg:$0x2] =	wrdreg s24  }
0xbf: {  	[dreg:$0x3] =	wrdreg s18  }
0xc0: {  	[dreg:$0x4] =	wrdreg s4  }
0xc1: {  	[dreg:$0x5] =	wrdreg $0xA  }
0xc2: {  	_ =	task.clear_ibuf [dreg:s22], $0x6FFFF;
	_ =	strace $0x90000049  }
0xc3: {  	s29 =	simm.s32 $0xA;
	_ =	strace $0x8000004B  }
0xc4: {  	_ =	swait.ge [sflag:s29], $0x1  }
0xc5: {  	[sflag:s29] =	ssyncadd.s32 $0xFFFFFFFF  }
0xc6: {  	_ =	strace $0x9000004B  }
0xc7: {  	_ =	sfence  }
0xc8: {  	s30 =	sld [smem:$0x0];
	_ =	sdelay $0x2  }
0xc9: {  	s31 =	sshll.u32 s1, $0xD;
	s1 =	sshrl.u32 s1, $0x2  }
0xca: {  	s4 =	sand.u32 $0x4000, s31;
	s1 =	sadd.s32 s1, s30  }
0xcb: {  	s0 =	sor.u32 s4, s0;
	s1 =	sshll.u32 s1, $0x11  }
0xcc: {  	s0 =	sor.u32 s1, s0  }
0xcd: {  	s0 =	sadd.s32 $0x8F2B, s0  }
0xce: {  	[sflag:s0] =	ssyncadd.remote.s32 $0x1  }
0xcf: {  	_ =	sfence.sel $0xFFFF  }
0xd0: {  	[dreg:$0x0] =	wrdreg $0xFFFFFFFF;
	(pc) =	sbr.abs _section_cstart, $3  }
0xd1: {  	[dreg:$0x1] =	wrdreg $0xFFFFFFFF  }
0xd2: {  	_ =	task.clear_ibuf [dreg:s22], $0x2FFFF;
	_ =	strace $0x9FFFFFFF  }
0xd3: {  	(tm) =	ssettm $0x7FFFFFFF  }
tec
execute0_lowered:
.L_overlay_start_1:
0x0: {  	(tag) =	ssettag $0x1  }
0x1: {  	s0 =	rddreg [dreg:$0x0]  }
0x2: {  	s1 =	rddreg [dreg:$0x1]  }
0x3: {  	s2 =	rddreg [dreg:$0x2];
	s3 =	simm.s32 $0x0;
	s6 =	stileid.u32  }
0x4: {  	s4 =	srdreg.scid;
	s9 =	simm.s32 $0x2;
	s19 =	simm.s32 $0x1  }
0x5: {  	s21 =	simm.s32 $0x880;
	s22 =	simm.s32 $0x1080;
	s23 =	simm.s32 $0x1880  }
0x6: {  	s28 =	simm.s32 $0x3880;
	s29 =	simm.s32 $0x4080;
	s30 =	simm.s32 $0x4880  }
0x7: {  	s31 =	simm.s32 $0x5080;
	s11 =	simm.s32 $0x6880;
	s12 =	simm.s32 $0x7080  }
0x8: {  	s13 =	simm.s32 $0x7880;
	s14 =	simm.s32 $0x8880;
	s15 =	simm.s32 $0x9080  }
0x9: {  	s16 =	simm.s32 $0x9880;
	s17 =	simm.s32 $0xA080;
	s18 =	simm.s32 $0xA880  }
0xa: {  	s10 =	simm.s32 $0xB080;
	[smem:$0x7FF] =	sst s3;
	s5 =	sshll.u32 s6, $0x1  }
0xb: {  	s6 =	sshrl.u32 s6, $0x1;
	s4 =	sand.u32 $0x1, s4;
	_ =	strace $0x8000004A  }
0xc: {  	s5 =	sand.u32 $0x2, s5;
	s7 =	sshll.u32 s6, $0x4;
	s8 =	ssub.s32 $0x2, s4  }
0xd: {  	s6 =	sshll.u32 s6, $0x10;
	s4 =	sor.u32 s4, s5;
	s0 =	sadd.s32 s7, s0  }
0xe: {  	s24 =	sshrl.u32 s8, $0x1;
	s7 =	sadd.s32 $0x300, s1;
	s25 =	sshll.u32 s4, $0x7  }
0xf: {  	s4 =	sshll.u32 s4, $0xE;
	s5 =	ssub.s32 s8, s24;
	s24 =	simm.s32 $0x2080  }
0x10: {  	s0 =	sadd.s32 s25, s0;
	s6 =	sor.u32 s6, s4;
	s4 =	sadd.s32 $0x100, s1  }
0x11: {  	s8 =	smax.u32 s5, $0x1;
	s25 =	simm.s32 $0x2880;
	s0 =	sadd.s32 $0x81200, s0  }
0x12: {  	v2 =	vlaneseq.u32;
	s5 =	simm.s32 $0x8080;
	s26 =	sadd.s32 s2, s6;
	[dreg:$0x4] =	wrdreg s0  }
0x13: {  	vm0 =	vmmov $0xffff;
	v1 =	vshrl.u32 v2, $0x3;
	s6 =	sadd.s32 $0x200, s1;
	[dreg:$0x6] =	wrdreg s26;
	s0 =	sadd.s32 $0x2000, s26  }
0x14: {  	v0 =	vand.u32 $0x7, v2;
	v2 =	vor.u32 $0x8, v2;
	v1 =	vmul.u32 $0x8, v1;
	s26 =	simm.s32 $0x3080;
	[dreg:$0x5] =	wrdreg s0;
	s0 =	simm.s32 $0x80  }
.LBB2_1:
0x15: {  	s20 =	rddreg [dreg:$0x4]  }
0x16: {  	[tilespmem:s3], [sflag:$0x2] =	stream.linear.gather [hbm4b:s20+s3], $0x80, $0x38;
	[tilespmem:$0x10080] =	vst v63  }
0x17: {  	_ =	swait.ge [sflag:s9], $0x80  }
0x18: {  	[sflag:s9] =	ssyncset.done $0x0  }
0x19: {  	[sflag:s9] =	ssyncadd.s32 $0xFFFFFF80  }
0x1a: {  	v3 =	vld [tilespmem:$0x0];
	_ =	sdelay $0x4  }
0x1b: {  	v4 =	vshll.u32 v3, $0x3  }
0x1c: {  	v3 =	vand.u32 $0x7, v3;
	v4 =	vand.u32 $0xFFFFFFC0, v4  }
0x1d: {  	v3 =	vor.u32 v3, v4  }
0x1e: {  	v4 =	vperm.xlane v3, v0;
	_ =	sdelay $0x1  }
0x1f: {  	v4 =	vadd.s32 v1, v4;
	_ =	sdelay $0x4  }
0x20: {  	[tilespmem:s0], [sflag:$0x1] =	stream.indirect_vreg.gather [hbm4b:s1+s3], $0x80, v4, vm0, $0xb8;
	[tilespmem:$0x10080] =	vst v63  }
0x21: {  	v3 =	vperm.xlane v3, v2  }
0x22: {  	[tilespmem:s21], [sflag:$0x1] =	stream.indirect_vreg.gather [hbm4b:s4+s3], $0x80, v4, vm0, $0xb8;
	[tilespmem:$0x10080] =	vst v63  }
0x23: {  	v3 =	vadd.s32 v1, v3  }
0x24: {  	[tilespmem:s22], [sflag:$0x1] =	stream.indirect_vreg.gather [hbm4b:s6+s3], $0x80, v4, vm0, $0xb8;
	[tilespmem:$0x10080] =	vst v63  }
0x25: {  	_ = 	snop  }
0x26: {  	[tilespmem:s23], [sflag:$0x1] =	stream.indirect_vreg.gather [hbm4b:s7+s3], $0x80, v4, vm0, $0xb8;
	[tilespmem:$0x10080] =	vst v63  }
0x27: {  	_ = 	snop  }
0x28: {  	[tilespmem:s24], [sflag:$0x1] =	stream.indirect_vreg.gather [hbm4b:s1+s3], $0x80, v3, vm0, $0xb8;
	[tilespmem:$0x10080] =	vst v63  }
0x29: {  	_ = 	snop  }
0x2a: {  	[tilespmem:s25], [sflag:$0x1] =	stream.indirect_vreg.gather [hbm4b:s4+s3], $0x80, v3, vm0, $0xb8;
	[tilespmem:$0x10080] =	vst v63  }
0x2b: {  	_ = 	snop  }
0x2c: {  	[tilespmem:s26], [sflag:$0x1] =	stream.indirect_vreg.gather [hbm4b:s6+s3], $0x80, v3, vm0, $0xb8;
	[tilespmem:$0x10080] =	vst v63  }
0x2d: {  	_ = 	snop  }
0x2e: {  	[tilespmem:s28], [sflag:$0x1] =	stream.indirect_vreg.gather [hbm4b:s7+s3], $0x80, v3, vm0, $0xb8;
	[tilespmem:$0x10080] =	vst v63  }
0x2f: {  	v3 =	vld [tilespmem:$0x10];
	_ =	sdelay $0x4  }
0x30: {  	v57 =	vshll.u32 v3, $0x3  }
0x31: {  	v3 =	vand.u32 $0x7, v3;
	v4 =	vand.u32 $0xFFFFFFC0, v57  }
0x32: {  	v3 =	vor.u32 v3, v4  }
0x33: {  	v4 =	vperm.xlane v3, v0;
	_ =	sdelay $0x1  }
0x34: {  	v4 =	vadd.s32 v1, v4;
	_ =	sdelay $0x4  }
0x35: {  	[tilespmem:s29], [sflag:$0x1] =	stream.indirect_vreg.gather [hbm4b:s1+s3], $0x80, v4, vm0, $0xb8;
	[tilespmem:$0x10080] =	vst v63  }
0x36: {  	v3 =	vperm.xlane v3, v2  }
0x37: {  	[tilespmem:s30], [sflag:$0x1] =	stream.indirect_vreg.gather [hbm4b:s4+s3], $0x80, v4, vm0, $0xb8;
	[tilespmem:$0x10080] =	vst v63  }
0x38: {  	v3 =	vadd.s32 v1, v3  }
0x39: {  	[tilespmem:s31], [sflag:$0x1] =	stream.indirect_vreg.gather [hbm4b:s6+s3], $0x80, v4, vm0, $0xb8;
	[tilespmem:$0x10080] =	vst v63  }
0x3a: {  	s2 =	simm.s32 $0x5880  }
0x3b: {  	[tilespmem:s2], [sflag:$0x1] =	stream.indirect_vreg.gather [hbm4b:s7+s3], $0x80, v4, vm0, $0xb8;
	[tilespmem:$0x10080] =	vst v63  }
0x3c: {  	s2 =	simm.s32 $0x6080  }
0x3d: {  	[tilespmem:s2], [sflag:$0x1] =	stream.indirect_vreg.gather [hbm4b:s1+s3], $0x80, v3, vm0, $0xb8;
	[tilespmem:$0x10080] =	vst v63  }
0x3e: {  	_ = 	snop  }
0x3f: {  	[tilespmem:s11], [sflag:$0x1] =	stream.indirect_vreg.gather [hbm4b:s4+s3], $0x80, v3, vm0, $0xb8;
	[tilespmem:$0x10080] =	vst v63  }
0x40: {  	_ = 	snop  }
0x41: {  	[tilespmem:s12], [sflag:$0x1] =	stream.indirect_vreg.gather [hbm4b:s6+s3], $0x80, v3, vm0, $0xb8;
	[tilespmem:$0x10080] =	vst v63  }
0x42: {  	_ = 	snop  }
0x43: {  	[tilespmem:s13], [sflag:$0x1] =	stream.indirect_vreg.gather [hbm4b:s7+s3], $0x80, v3, vm0, $0xb8;
	[tilespmem:$0x10080] =	vst v63  }
0x44: {  	v3 =	vld [tilespmem:$0x20];
	_ =	sdelay $0x4  }
0x45: {  	v58 =	vshll.u32 v3, $0x3  }
0x46: {  	v3 =	vand.u32 $0x7, v3;
	v4 =	vand.u32 $0xFFFFFFC0, v58  }
0x47: {  	v3 =	vor.u32 v3, v4  }
0x48: {  	v4 =	vperm.xlane v3, v0;
	_ =	sdelay $0x1  }
0x49: {  	v4 =	vadd.s32 v1, v4;
	_ =	sdelay $0x4  }
0x4a: {  	[tilespmem:s5], [sflag:$0x1] =	stream.indirect_vreg.gather [hbm4b:s1+s3], $0x80, v4, vm0, $0xb8;
	[tilespmem:$0x10080] =	vst v63  }
0x4b: {  	v3 =	vperm.xlane v3, v2  }
0x4c: {  	[tilespmem:s14], [sflag:$0x1] =	stream.indirect_vreg.gather [hbm4b:s4+s3], $0x80, v4, vm0, $0xb8;
	[tilespmem:$0x10080] =	vst v63  }
0x4d: {  	v3 =	vadd.s32 v1, v3  }
0x4e: {  	[tilespmem:s15], [sflag:$0x1] =	stream.indirect_vreg.gather [hbm4b:s6+s3], $0x80, v4, vm0, $0xb8;
	[tilespmem:$0x10080] =	vst v63  }
0x4f: {  	_ = 	snop  }
0x50: {  	[tilespmem:s16], [sflag:$0x1] =	stream.indirect_vreg.gather [hbm4b:s7+s3], $0x80, v4, vm0, $0xb8;
	[tilespmem:$0x10080] =	vst v63  }
0x51: {  	_ = 	snop  }
0x52: {  	[tilespmem:s17], [sflag:$0x1] =	stream.indirect_vreg.gather [hbm4b:s1+s3], $0x80, v3, vm0, $0xb8;
	[tilespmem:$0x10080] =	vst v63  }
0x53: {  	_ = 	snop  }
0x54: {  	[tilespmem:s18], [sflag:$0x1] =	stream.indirect_vreg.gather [hbm4b:s4+s3], $0x80, v3, vm0, $0xb8;
	[tilespmem:$0x10080] =	vst v63  }
0x55: {  	_ = 	snop  }
0x56: {  	[tilespmem:s10], [sflag:$0x1] =	stream.indirect_vreg.gather [hbm4b:s6+s3], $0x80, v3, vm0, $0xb8;
	[tilespmem:$0x10080] =	vst v63  }
0x57: {  	s20 =	simm.s32 $0xB880  }
0x58: {  	[tilespmem:s20], [sflag:$0x1] =	stream.indirect_vreg.gather [hbm4b:s7+s3], $0x80, v3, vm0, $0xb8;
	[tilespmem:$0x10080] =	vst v63  }
0x59: {  	v3 =	vld [tilespmem:$0x30];
	_ =	sdelay $0x4  }
0x5a: {  	v59 =	vshll.u32 v3, $0x3  }
0x5b: {  	v3 =	vand.u32 $0x7, v3;
	v4 =	vand.u32 $0xFFFFFFC0, v59  }
0x5c: {  	v3 =	vor.u32 v3, v4  }
0x5d: {  	v4 =	vperm.xlane v3, v0;
	_ =	sdelay $0x1  }
0x5e: {  	v4 =	vadd.s32 v1, v4;
	_ =	sdelay $0x3  }
0x5f: {  	s20 =	simm.s32 $0xC080  }
0x60: {  	[tilespmem:s20], [sflag:$0x1] =	stream.indirect_vreg.gather [hbm4b:s1+s3], $0x80, v4, vm0, $0xb8;
	[tilespmem:$0x10080] =	vst v63  }
0x61: {  	v3 =	vperm.xlane v3, v2;
	s20 =	simm.s32 $0xC880  }
0x62: {  	[tilespmem:s20], [sflag:$0x1] =	stream.indirect_vreg.gather [hbm4b:s4+s3], $0x80, v4, vm0, $0xb8;
	[tilespmem:$0x10080] =	vst v63  }
0x63: {  	v3 =	vadd.s32 v1, v3;
	s20 =	simm.s32 $0xD080  }
0x64: {  	[tilespmem:s20], [sflag:$0x1] =	stream.indirect_vreg.gather [hbm4b:s6+s3], $0x80, v4, vm0, $0xb8;
	[tilespmem:$0x10080] =	vst v63  }
0x65: {  	s20 =	simm.s32 $0xD880  }
0x66: {  	[tilespmem:s20], [sflag:$0x1] =	stream.indirect_vreg.gather [hbm4b:s7+s3], $0x80, v4, vm0, $0xb8;
	[tilespmem:$0x10080] =	vst v63  }
0x67: {  	s20 =	simm.s32 $0xE080  }
0x68: {  	[tilespmem:s20], [sflag:$0x1] =	stream.indirect_vreg.gather [hbm4b:s1+s3], $0x80, v3, vm0, $0xb8;
	[tilespmem:$0x10080] =	vst v63  }
0x69: {  	s20 =	simm.s32 $0xE880  }
0x6a: {  	[tilespmem:s20], [sflag:$0x1] =	stream.indirect_vreg.gather [hbm4b:s4+s3], $0x80, v3, vm0, $0xb8;
	[tilespmem:$0x10080] =	vst v63  }
0x6b: {  	s20 =	simm.s32 $0xF080  }
0x6c: {  	[tilespmem:s20], [sflag:$0x1] =	stream.indirect_vreg.gather [hbm4b:s6+s3], $0x80, v3, vm0, $0xb8;
	[tilespmem:$0x10080] =	vst v63  }
0x6d: {  	s20 =	simm.s32 $0xF880  }
0x6e: {  	[tilespmem:s20], [sflag:$0x1] =	stream.indirect_vreg.gather [hbm4b:s7+s3], $0x80, v3, vm0, $0xb8;
	[tilespmem:$0x10080] =	vst v63  }
0x6f: {  	_ =	swait.ge [sflag:s19], $0x10000  }
0x70: {  	[sflag:s19] =	ssyncset.done $0x0  }
0x71: {  	s20 =	rddreg [dreg:$0x6];
	[sflag:s19] =	ssyncadd.s32 $0xFFFF0000  }
0x72: {  	[hbm4b:s20+s3] =	stream.linear.scatter [tilespmem:s0], [sflag:$0x2], $0x10000, $0x38;
	[tilespmem:$0x10080] =	vst v63  }
0x73: {  	_ =	swait.ge [sflag:s9], $0x10000  }
0x74: {  	[sflag:s9] =	ssyncset.done $0x0  }
0x75: {  	[sflag:s9] =	ssyncadd.s32 $0xFFFF0000  }
0x76: {  	v3 =	vld [tilespmem:$0x40];
	_ =	sdelay $0x4  }
0x77: {  	v60 =	vshll.u32 v3, $0x3  }
0x78: {  	v3 =	vand.u32 $0x7, v3;
	v4 =	vand.u32 $0xFFFFFFC0, v60  }
0x79: {  	v3 =	vor.u32 v3, v4  }
0x7a: {  	v4 =	vperm.xlane v3, v0;
	_ =	sdelay $0x1  }
0x7b: {  	v4 =	vadd.s32 v1, v4;
	_ =	sdelay $0x4  }
0x7c: {  	[tilespmem:s0], [sflag:$0x1] =	stream.indirect_vreg.gather [hbm4b:s1+s3], $0x80, v4, vm0, $0xb8;
	[tilespmem:$0x10080] =	vst v63  }
0x7d: {  	v3 =	vperm.xlane v3, v2  }
0x7e: {  	[tilespmem:s21], [sflag:$0x1] =	stream.indirect_vreg.gather [hbm4b:s4+s3], $0x80, v4, vm0, $0xb8;
	[tilespmem:$0x10080] =	vst v63  }
0x7f: {  	v3 =	vadd.s32 v1, v3  }
0x80: {  	[tilespmem:s22], [sflag:$0x1] =	stream.indirect_vreg.gather [hbm4b:s6+s3], $0x80, v4, vm0, $0xb8;
	[tilespmem:$0x10080] =	vst v63  }
0x81: {  	_ = 	snop  }
0x82: {  	[tilespmem:s23], [sflag:$0x1] =	stream.indirect_vreg.gather [hbm4b:s7+s3], $0x80, v4, vm0, $0xb8;
	[tilespmem:$0x10080] =	vst v63  }
0x83: {  	_ = 	snop  }
0x84: {  	[tilespmem:s24], [sflag:$0x1] =	stream.indirect_vreg.gather [hbm4b:s1+s3], $0x80, v3, vm0, $0xb8;
	[tilespmem:$0x10080] =	vst v63  }
0x85: {  	_ = 	snop  }
0x86: {  	[tilespmem:s25], [sflag:$0x1] =	stream.indirect_vreg.gather [hbm4b:s4+s3], $0x80, v3, vm0, $0xb8;
	[tilespmem:$0x10080] =	vst v63  }
0x87: {  	_ = 	snop  }
0x88: {  	[tilespmem:s26], [sflag:$0x1] =	stream.indirect_vreg.gather [hbm4b:s6+s3], $0x80, v3, vm0, $0xb8;
	[tilespmem:$0x10080] =	vst v63  }
0x89: {  	_ = 	snop  }
0x8a: {  	[tilespmem:s28], [sflag:$0x1] =	stream.indirect_vreg.gather [hbm4b:s7+s3], $0x80, v3, vm0, $0xb8;
	[tilespmem:$0x10080] =	vst v63  }
0x8b: {  	v3 =	vld [tilespmem:$0x50];
	_ =	sdelay $0x4  }
0x8c: {  	v61 =	vshll.u32 v3, $0x3  }
0x8d: {  	v3 =	vand.u32 $0x7, v3;
	v4 =	vand.u32 $0xFFFFFFC0, v61  }
0x8e: {  	v3 =	vor.u32 v3, v4  }
0x8f: {  	v4 =	vperm.xlane v3, v0;
	_ =	sdelay $0x1  }
0x90: {  	v4 =	vadd.s32 v1, v4;
	_ =	sdelay $0x4  }
0x91: {  	[tilespmem:s29], [sflag:$0x1] =	stream.indirect_vreg.gather [hbm4b:s1+s3], $0x80, v4, vm0, $0xb8;
	[tilespmem:$0x10080] =	vst v63  }
0x92: {  	v3 =	vperm.xlane v3, v2  }
0x93: {  	[tilespmem:s30], [sflag:$0x1] =	stream.indirect_vreg.gather [hbm4b:s4+s3], $0x80, v4, vm0, $0xb8;
	[tilespmem:$0x10080] =	vst v63  }
0x94: {  	v3 =	vadd.s32 v1, v3  }
0x95: {  	[tilespmem:s31], [sflag:$0x1] =	stream.indirect_vreg.gather [hbm4b:s6+s3], $0x80, v4, vm0, $0xb8;
	[tilespmem:$0x10080] =	vst v63  }
0x96: {  	s20 =	simm.s32 $0x5880  }
0x97: {  	[tilespmem:s20], [sflag:$0x1] =	stream.indirect_vreg.gather [hbm4b:s7+s3], $0x80, v4, vm0, $0xb8;
	[tilespmem:$0x10080] =	vst v63  }
0x98: {  	_ = 	snop  }
0x99: {  	[tilespmem:s2], [sflag:$0x1] =	stream.indirect_vreg.gather [hbm4b:s1+s3], $0x80, v3, vm0, $0xb8;
	[tilespmem:$0x10080] =	vst v63  }
0x9a: {  	_ = 	snop  }
0x9b: {  	[tilespmem:s11], [sflag:$0x1] =	stream.indirect_vreg.gather [hbm4b:s4+s3], $0x80, v3, vm0, $0xb8;
	[tilespmem:$0x10080] =	vst v63  }
0x9c: {  	_ = 	snop  }
0x9d: {  	[tilespmem:s12], [sflag:$0x1] =	stream.indirect_vreg.gather [hbm4b:s6+s3], $0x80, v3, vm0, $0xb8;
	[tilespmem:$0x10080] =	vst v63  }
0x9e: {  	_ = 	snop  }
0x9f: {  	[tilespmem:s13], [sflag:$0x1] =	stream.indirect_vreg.gather [hbm4b:s7+s3], $0x80, v3, vm0, $0xb8;
	[tilespmem:$0x10080] =	vst v63  }
0xa0: {  	v3 =	vld [tilespmem:$0x60];
	_ =	sdelay $0x4  }
0xa1: {  	v62 =	vshll.u32 v3, $0x3  }
0xa2: {  	v3 =	vand.u32 $0x7, v3;
	v4 =	vand.u32 $0xFFFFFFC0, v62  }
0xa3: {  	v3 =	vor.u32 v3, v4  }
0xa4: {  	v4 =	vperm.xlane v3, v0;
	_ =	sdelay $0x1  }
0xa5: {  	v4 =	vadd.s32 v1, v4;
	_ =	sdelay $0x4  }
0xa6: {  	[tilespmem:s5], [sflag:$0x1] =	stream.indirect_vreg.gather [hbm4b:s1+s3], $0x80, v4, vm0, $0xb8;
	[tilespmem:$0x10080] =	vst v63  }
0xa7: {  	v3 =	vperm.xlane v3, v2  }
0xa8: {  	[tilespmem:s14], [sflag:$0x1] =	stream.indirect_vreg.gather [hbm4b:s4+s3], $0x80, v4, vm0, $0xb8;
	[tilespmem:$0x10080] =	vst v63  }
0xa9: {  	v3 =	vadd.s32 v1, v3  }
0xaa: {  	[tilespmem:s15], [sflag:$0x1] =	stream.indirect_vreg.gather [hbm4b:s6+s3], $0x80, v4, vm0, $0xb8;
	[tilespmem:$0x10080] =	vst v63  }
0xab: {  	_ = 	snop  }
0xac: {  	[tilespmem:s16], [sflag:$0x1] =	stream.indirect_vreg.gather [hbm4b:s7+s3], $0x80, v4, vm0, $0xb8;
	[tilespmem:$0x10080] =	vst v63  }
0xad: {  	_ = 	snop  }
0xae: {  	[tilespmem:s17], [sflag:$0x1] =	stream.indirect_vreg.gather [hbm4b:s1+s3], $0x80, v3, vm0, $0xb8;
	[tilespmem:$0x10080] =	vst v63  }
0xaf: {  	_ = 	snop  }
0xb0: {  	[tilespmem:s18], [sflag:$0x1] =	stream.indirect_vreg.gather [hbm4b:s4+s3], $0x80, v3, vm0, $0xb8;
	[tilespmem:$0x10080] =	vst v63  }
0xb1: {  	_ = 	snop  }
0xb2: {  	[tilespmem:s10], [sflag:$0x1] =	stream.indirect_vreg.gather [hbm4b:s6+s3], $0x80, v3, vm0, $0xb8;
	[tilespmem:$0x10080] =	vst v63  }
0xb3: {  	s20 =	simm.s32 $0xB880  }
0xb4: {  	[tilespmem:s20], [sflag:$0x1] =	stream.indirect_vreg.gather [hbm4b:s7+s3], $0x80, v3, vm0, $0xb8;
	[tilespmem:$0x10080] =	vst v63  }
0xb5: {  	v3 =	vld [tilespmem:$0x70];
	_ =	sdelay $0x4  }
0xb6: {  	v63 =	vshll.u32 v3, $0x3  }
0xb7: {  	v3 =	vand.u32 $0x7, v3;
	v4 =	vand.u32 $0xFFFFFFC0, v63  }
0xb8: {  	v3 =	vor.u32 v3, v4  }
0xb9: {  	v4 =	vperm.xlane v3, v0;
	_ =	sdelay $0x1  }
0xba: {  	v4 =	vadd.s32 v1, v4;
	_ =	sdelay $0x3  }
0xbb: {  	s20 =	simm.s32 $0xC080  }
0xbc: {  	[tilespmem:s20], [sflag:$0x1] =	stream.indirect_vreg.gather [hbm4b:s1+s3], $0x80, v4, vm0, $0xb8;
	[tilespmem:$0x10080] =	vst v63  }
0xbd: {  	v3 =	vperm.xlane v3, v2;
	s20 =	simm.s32 $0xC880  }
0xbe: {  	[tilespmem:s20], [sflag:$0x1] =	stream.indirect_vreg.gather [hbm4b:s4+s3], $0x80, v4, vm0, $0xb8;
	[tilespmem:$0x10080] =	vst v63  }
0xbf: {  	v3 =	vadd.s32 v1, v3;
	s20 =	simm.s32 $0xD080  }
0xc0: {  	[tilespmem:s20], [sflag:$0x1] =	stream.indirect_vreg.gather [hbm4b:s6+s3], $0x80, v4, vm0, $0xb8;
	[tilespmem:$0x10080] =	vst v63  }
0xc1: {  	s20 =	simm.s32 $0xD880  }
0xc2: {  	[tilespmem:s20], [sflag:$0x1] =	stream.indirect_vreg.gather [hbm4b:s7+s3], $0x80, v4, vm0, $0xb8;
	[tilespmem:$0x10080] =	vst v63  }
0xc3: {  	s20 =	simm.s32 $0xE080  }
0xc4: {  	[tilespmem:s20], [sflag:$0x1] =	stream.indirect_vreg.gather [hbm4b:s1+s3], $0x80, v3, vm0, $0xb8;
	[tilespmem:$0x10080] =	vst v63  }
0xc5: {  	s20 =	simm.s32 $0xE880  }
0xc6: {  	[tilespmem:s20], [sflag:$0x1] =	stream.indirect_vreg.gather [hbm4b:s4+s3], $0x80, v3, vm0, $0xb8;
	[tilespmem:$0x10080] =	vst v63  }
0xc7: {  	s20 =	simm.s32 $0xF080  }
0xc8: {  	[tilespmem:s20], [sflag:$0x1] =	stream.indirect_vreg.gather [hbm4b:s6+s3], $0x80, v3, vm0, $0xb8;
	[tilespmem:$0x10080] =	vst v63  }
0xc9: {  	s20 =	simm.s32 $0xF880  }
0xca: {  	[tilespmem:s20], [sflag:$0x1] =	stream.indirect_vreg.gather [hbm4b:s7+s3], $0x80, v3, vm0, $0xb8;
	[tilespmem:$0x10080] =	vst v63  }
0xcb: {  	_ =	swait.ge [sflag:s19], $0x10000  }
0xcc: {  	p0 =	sne.s32 s8, $0x1;
	[sflag:s19] =	ssyncset.done $0x0  }
.Ltmp0:
0xcd: {  	s2 =	rddreg [dreg:$0x5];
	[sflag:s19] =	ssyncadd.s32 $0xFFFF0000;
	(pc) =	sbr.rel @p0 .LBB2_1-.Ltmp0, $4  }
0xce: {  	[hbm4b:s2+s3] =	stream.linear.scatter [tilespmem:s0], [sflag:$0x2], $0x10000, $0x38;
	[tilespmem:$0x10080] =	vst v63  }
0xcf: {  	_ =	swait.ge [sflag:s9], $0x10000  }
0xd0: {  	[sflag:s9] =	ssyncset.done $0x0  }
0xd1: {  	s8 =	sadd.s32 $0xFFFFFFFF, s8;
	[sflag:s9] =	ssyncadd.s32 $0xFFFF0000  }
0xd2: {  	_ =	sfence.sel $0x180000  }
0xd3: {  	[bflag:$0x0] =	sbarrier.arrive $0xFFFF  }
0xd4: {  	_ =	strace $0x9000004A  }
0xd5: {  	s0 =	stileid.u32;
	[bflag:$0x2] =	sbarrier.arrive $0xFFFF  }
0xd6: {  	p0 =	sne.s32 s0, $0x0;
	s0 =	rddreg [dreg:$0x3]  }
0xd7: {  	s0 =	sadd.s32 @!p0 $0x100000, s0  }
0xd8: {  	[sflag:s0] =	ssyncadd.tile.s32 @!p0 $0x1;
	_ =	shalt  }
.Lfunc_end2:
_tile_overlayer_lowered:
.L_overlay_start_2:
0xd9: {  	(tag) =	ssettag $0x2  }
0xda: {  	s0 =	rddreg [dreg:$0x0];
	s2 =	stileid.u32  }
0xdb: {  	s1 =	rddreg [dreg:$0x1];
	p0 =	sne.s32 s2, $0x0  }
0xdc: {  	s3 =	rddreg [dreg:$0x2];
	[bflag:$0x3] =	sbarrier.arrive $0xFFFF;
	s2 =	simm.s32 @!p0 $0x1C02  }
0xdd: {  	[timem:s3], [sflag:s2] =	dma.local @!p0 [hbm:s0], s1  }
0xde: {  	s0 =	simm.s32 @!p0 $0x2  }
0xdf: {  	_ =	swait.ge @!p0 [sflag:s0], s1  }
0xe0: {  	s1 =	ssub.s32 @!p0 $0x0, s1;
	[sflag:s0] =	ssyncset.done @!p0 $0x0  }
0xe1: {  	[sflag:s0] =	ssyncadd.s32 @!p0 s1  }
0xe2: {  	[bflag:$0x3] =	sbarrier.arrive $0xFFFF  }
0xe3: {  	_ =	shalt  }

// kernel: kernel.7.cloned.1.call-start
scs
__scs_entry_jumppad:
0x0: {  	(pc) =	sbr.rel $0x88, $3  }
0x1: {  	(tag) =	ssettag $0x0;
	lr =	simm.s32 $0x1  }
0x2: {  	[smem:$0x3F9D] =	sst lr;
	_ =	strace $0xD0000000  }
0x3: {  	_ = 	snop  }
0x4: {  	_ = 	snop  }
0x5: {  	_ = 	snop  }
0x6: {  	_ = 	snop  }
0x7: {  	_ = 	snop  }
__scs_overlays_trampoline_lowered:
0x8: {  	[smem:$0x3FAC] =	sst s0  }
0x9: {  	[smem:$0x3FAD] =	sst s1  }
0xa: {  	[smem:$0x3FAE] =	sst s2  }
0xb: {  	[smem:$0x3FAF] =	sst s3  }
0xc: {  	[smem:$0x3FB0] =	sst s4  }
0xd: {  	[smem:$0x3FB1] =	sst s5  }
0xe: {  	[smem:$0x3FB2] =	sst s6  }
0xf: {  	[smem:$0x3FB3] =	sst s7  }
0x10: {  	[smem:$0x3FB4] =	sst s8  }
0x11: {  	[smem:$0x3FB5] =	sst s9;
	s0 =	simm.s32 @!p0 $0x0  }
0x12: {  	s1 =	sld [smem:$0x3F9B];
	s0 =	simm.s32 @p0 $0x1  }
0x13: {  	[smem:$0x3FB6] =	sst s0;
	s0 =	simm.s32 @!p1 $0x0  }
0x14: {  	s2 =	sld [smem:$0x3F9A];
	s0 =	simm.s32 @p1 $0x1  }
0x15: {  	[smem:$0x3FB7] =	sst s0;
	s0 =	simm.s32 @!p2 $0x0  }
0x16: {  	s3 =	sld [smem:$0x3FDB];
	s0 =	simm.s32 @p2 $0x1  }
0x17: {  	s4 =	simm.s32 $0x1BF5;
	[smem:$0x3FB9] =	sst s0  }
0x18: {  	s0 =	sld [smem:$0x3F9C];
	_ =	swait.ge [sflag:s4], $0x0  }
0x19: {  	s7 =	sld [smem:$0x3F9D]  }
0x1a: {  	s8 =	sadd.s32 $0xFFFFE003, lr  }
0x1b: {  	s9 =	sadd.s32 $0xFFFFFEF7, lr;
	s5 =	simm.s32 $0xFFFFFFFF;
	p2 =	slt.u32 s8, $0xFFFFF086  }
0x1c: {  	p1 =	slt.u32 s9, $0xF7A;
	s5 =	simm.s32 @!p2 $0x0  }
0x1d: {  	s5 =	simm.s32 @p1 $0x1;
	p0 =	seq.s32 s7, s2  }
0x1e: {  	s7 =	smul.u32 @!p0 $0xF7A, s2;
	p2 =	seq.s32 @!p0 s5, $0x0  }
0x1f: {  	s9 =	smul.u32 $0xF7A, s1;
	s8 =	simm.s32 @!p0 $0x1BF5;
	p2 =	por !p2, p0  }
0x20: {  	[sflag:s8] =	ssyncset.s32 @!p0 $0xFFFFF086;
	s6 =	sadd.s32 @!p0 s3, s7;
	s7 =	simm.s32 @!p0 $0x108  }
0x21: {  	s3 =	sadd.s32 s3, s9;
	s6 =	sadd.s32 @!p0 $0x88, s6;
	s7 =	simm.s32 @p2 $0x1082  }
0x22: {  	[simem:s7], [sflag:s8] =	dma.local @!p0 [hbm:s6], $0xF7A  }
0x23: {  	s9 =	sor.u32 $0xD0000000, s2;
	s6 =	simm.s32 $0x108;
	_ =	swait.ge @!p0 [sflag:s8], $0x0  }
0x24: {  	s3 =	sadd.s32 $0x88, s3;
	s6 =	simm.s32 @!p1 $0x1082;
	[sflag:s4] =	ssyncset.s32 $0xFFFFF086  }
0x25: {  	[simem:s6], [sflag:s4] =	dma.local [hbm:s3], $0xF7A  }
0x26: {  	[smem:$0x3F9D] =	sst s1;
	(tag) =	ssettag s2;
	_ =	strace s9  }
0x27: {  	s1 =	sld [smem:$0x3FAD]  }
0x28: {  	s2 =	sld [smem:$0x3FAE]  }
0x29: {  	s4 =	sld [smem:$0x3FB0]  }
0x2a: {  	p0 =	seq.s32 s5, $0x0;
	s5 =	sld [smem:$0x3FB1]  }
0x2b: {  	s6 =	sld [smem:$0x3FB2]  }
0x2c: {  	s7 =	sld [smem:$0x3FB3]  }
0x2d: {  	s3 =	simm.s32 $0x108;
	s8 =	sld [smem:$0x3FB4]  }
0x2e: {  	s3 =	simm.s32 @!p0 $0x1082;
	s9 =	sld [smem:$0x3FB5]  }
0x2f: {  	lr =	sadd.s32 s0, s3;
	s0 =	sld [smem:$0x3FAC]  }
0x30: {  	s3 =	sld [smem:$0x3FAF]  }
0x31: {  	[smem:$0x3FB8] =	sst s10  }
0x32: {  	s10 =	sld [smem:$0x3FB6];
	_ =	sdelay $0x3  }
0x33: {  	p0 =	seq.s32 s10, $0x1;
	s10 =	sld [smem:$0x3FB8];
	_ =	sdelay $0x3  }
0x34: {  	[smem:$0x3FB8] =	sst s10  }
0x35: {  	s10 =	sld [smem:$0x3FB7];
	_ =	sdelay $0x3  }
0x36: {  	p1 =	seq.s32 s10, $0x1;
	s10 =	sld [smem:$0x3FB8];
	_ =	sdelay $0x3  }
0x37: {  	[smem:$0x3FB8] =	sst s10  }
0x38: {  	s10 =	sld [smem:$0x3FB9]  }
0x39: {  	_ = 	snop;
	(pc) =	sbr.ind lr, $3  }
0x3a: {  	_ = 	snop  }
0x3b: {  	_ = 	snop  }
0x3c: {  	p2 =	seq.s32 s10, $0x1;
	s10 =	sld [smem:$0x3FB8]  }
0x3d: {  	_ =	shalt  }
0x3e: {  	_ =	shalt  }
0x3f: {  	_ =	shalt  }
0x40: {  	_ =	shalt  }
0x41: {  	_ =	shalt  }
0x42: {  	_ =	shalt  }
0x43: {  	_ =	shalt  }
0x44: {  	_ =	shalt  }
0x45: {  	_ =	shalt  }
0x46: {  	_ =	shalt  }
0x47: {  	_ =	shalt  }
0x48: {  	_ =	shalt  }
0x49: {  	_ =	shalt  }
0x4a: {  	_ =	shalt  }
0x4b: {  	_ =	shalt  }
0x4c: {  	_ =	shalt  }
0x4d: {  	_ =	shalt  }
0x4e: {  	_ =	shalt  }
0x4f: {  	_ =	shalt  }
0x50: {  	_ =	shalt  }
0x51: {  	_ =	shalt  }
0x52: {  	_ =	shalt  }
0x53: {  	_ =	shalt  }
0x54: {  	_ =	shalt  }
0x55: {  	_ =	shalt  }
0x56: {  	_ =	shalt  }
0x57: {  	_ =	shalt  }
0x58: {  	_ =	shalt  }
0x59: {  	_ =	shalt  }
0x5a: {  	_ =	shalt  }
0x5b: {  	_ =	shalt  }
0x5c: {  	_ =	shalt  }
0x5d: {  	_ =	shalt  }
0x5e: {  	_ =	shalt  }
0x5f: {  	_ =	shalt  }
0x60: {  	_ =	shalt  }
0x61: {  	_ =	shalt  }
0x62: {  	_ =	shalt  }
0x63: {  	_ =	shalt  }
0x64: {  	_ =	shalt  }
0x65: {  	_ =	shalt  }
0x66: {  	_ =	shalt  }
0x67: {  	_ =	shalt  }
0x68: {  	_ =	shalt  }
0x69: {  	_ =	shalt  }
0x6a: {  	_ =	shalt  }
0x6b: {  	_ =	shalt  }
0x6c: {  	_ =	shalt  }
0x6d: {  	_ =	shalt  }
0x6e: {  	_ =	shalt  }
0x6f: {  	_ =	shalt  }
0x70: {  	_ =	shalt  }
0x71: {  	_ =	shalt  }
0x72: {  	_ =	shalt  }
0x73: {  	_ =	shalt  }
0x74: {  	_ =	shalt  }
0x75: {  	_ =	shalt  }
0x76: {  	_ =	shalt  }
0x77: {  	_ =	shalt  }
0x78: {  	_ =	shalt  }
0x79: {  	_ =	shalt  }
0x7a: {  	_ =	shalt  }
0x7b: {  	_ =	shalt  }
0x7c: {  	_ =	shalt  }
0x7d: {  	_ =	shalt  }
0x7e: {  	_ =	shalt  }
0x7f: {  	_ =	shalt  }
0x80: {  	_ =	shalt  }
0x81: {  	_ =	shalt  }
0x82: {  	_ =	shalt  }
0x83: {  	_ =	shalt  }
0x84: {  	_ =	shalt  }
0x85: {  	_ =	shalt  }
0x86: {  	_ =	shalt  }
0x87: {  	_ =	shalt  }
.Lfunc_end0:
.L_simem_size_0:
called_computation_lowered:
.L_overlay_start_0:
0x88: {  	s2 =	sld [smem:$0x3FD9]  }
0x89: {  	s3 =	sld [smem:$0x3FFE];
	_ =	sdelay $0x1  }
0x8a: {  	s1 =	srdreg.scid  }
0x8b: {  	s0 =	sand.u32 $0x1, s1  }
0x8c: {  	s17 =	sshll.u32 s0, $0xA;
	s2 =	sadd.s32 s3, s2  }
0x8d: {  	s2 =	sadd.s32 s2, s17  }
0x8e: {  	[smem:$0x3FC4] =	sst s2  }
0x8f: {  	_ = 	snop  }
0x90: {  	s2 =	sld [smem:$0x3FC9];
	(tm) =	ssettm $0x1  }
0x91: {  	s18 =	sld [smem:$0x3FFB];
	_ =	sdelay $0x3  }
0x92: {  	_ =	strace s18  }
0x93: {  	s3 =	sld [smem:$0x3FFC];
	_ =	sdelay $0x3  }
0x94: {  	_ =	strace s3  }
0x95: {  	s3 =	sld [smem:$0x3FFD];
	_ =	sdelay $0x3  }
0x96: {  	_ =	strace s3  }
0x97: {  	_ =	strace $0x8FFFFFFF  }
0x98: {  	s19 =	sld [smem:$0x3FDB];
	_ =	sdelay $0x1  }
0x99: {  	s4 =	simm.s32 $_scs_section_size  }
0x9a: {  	s5 =	simm.s32 $_size__tile_overlayer_lowered;
	s6 =	simm.s32 $_tile_overlayer_lowered  }
0x9b: {  	s22 =	simm.s32 $0x1BFF;
	s21 =	sshll.u32 s6, $0x1;
	s3 =	sadd.s32 s4, s19  }
0x9c: {  	s7 =	simm.s32 $0x0;
	s20 =	sshll.u32 s5, $0x1;
	s5 =	sadd.s32 s21, s3  }
0x9d: {  	[timem:s7], [sflag:s22] =	dma.local [hbm:s5], s20  }
0x9e: {  	_ =	swait.ge [sflag:s22], s20  }
0x9f: {  	s4 =	ssub.s32 $0x0, s20;
	[sflag:s22] =	ssyncset.done $0x0  }
0xa0: {  	[sflag:s22] =	ssyncadd.s32 s4;
	_ =	sdelay $0x1  }
0xa1: {  	s23 =	simm.s32 $0x1B8B  }
0xa2: {  	_ =	swait.ge [sflag:s23], $0x1  }
0xa3: {  	[sflag:s23] =	ssyncset.done $0x0  }
0xa4: {  	s25 =	simm.s32 $0x1B8E;
	s24 =	sld [smem:$0x3FFE];
	[sflag:s23] =	ssyncadd.s32 $0xFFFFFFFF  }
0xa5: {  	s26 =	simm.s32 $execute0_lowered;
	[smem:$0x3FD2] =	sst s25  }
0xa6: {  	s5 =	sshll.u32 s26, $0x1;
	_ =	strace $0x80000046;
	[dreg:$0x1] =	wrdreg $0xFFFFFFFF  }
0xa7: {  	s28 =	simm.s32 $_size_execute0_lowered;
	s3 =	sadd.s32 s3, s5;
	[dreg:$0x0] =	wrdreg $0x0  }
0xa8: {  	s5 =	sshll.u32 s28, $0x1;
	[dreg:$0x2] =	wrdreg s3  }
0xa9: {  	[dreg:$0x3] =	wrdreg s5  }
0xaa: {  	[dreg:$0x4] =	wrdreg $0xC0  }
0xab: {  	_ =	task [dreg:s7], $0x5FFFF  }
0xac: {  	[dreg:$0x1] =	wrdreg $0xFFFFFFFF  }
0xad: {  	[dreg:$0x0] =	wrdreg $0x60  }
0xae: {  	[dreg:$0x2] =	wrdreg s24  }
0xaf: {  	[dreg:$0x3] =	wrdreg s2  }
0xb0: {  	[dreg:$0x4] =	wrdreg $0x9  }
0xb1: {  	_ =	task.clear_ibuf [dreg:s7], $0x5FFFF;
	_ =	strace $0x90000046  }
0xb2: {  	s29 =	simm.s32 $0x9;
	_ =	strace $0x80000048  }
0xb3: {  	_ =	swait.ge [sflag:s29], $0x1  }
0xb4: {  	[sflag:s29] =	ssyncadd.s32 $0xFFFFFFFF  }
0xb5: {  	_ =	strace $0x90000048  }
0xb6: {  	_ =	sfence  }
0xb7: {  	s30 =	sld [smem:$0x0];
	_ =	sdelay $0x2  }
0xb8: {  	s31 =	sshll.u32 s1, $0xD;
	s1 =	sshrl.u32 s1, $0x2  }
0xb9: {  	s3 =	sand.u32 $0x4000, s31;
	s1 =	sadd.s32 s1, s30  }
0xba: {  	s0 =	sor.u32 s3, s0;
	s1 =	sshll.u32 s1, $0x11  }
0xbb: {  	s0 =	sor.u32 s1, s0  }
0xbc: {  	s0 =	sadd.s32 $0x8F2B, s0  }
0xbd: {  	[sflag:s0] =	ssyncadd.remote.s32 $0x1  }
0xbe: {  	_ =	sfence.sel $0xFFFF  }
0xbf: {  	[dreg:$0x0] =	wrdreg $0xFFFFFFFF;
	(pc) =	sbr.abs _section_cstart, $3  }
0xc0: {  	[dreg:$0x1] =	wrdreg $0xFFFFFFFF  }
0xc1: {  	_ =	task.clear_ibuf [dreg:s7], $0x2FFFF;
	_ =	strace $0x9FFFFFFF  }
0xc2: {  	(tm) =	ssettm $0x7FFFFFFF  }
0xc3: {  	_ =	shalt  }
tec
execute0_lowered:
.L_overlay_start_1:
0x0: {  	(tag) =	ssettag $0x1  }
0x1: {  	s0 =	rddreg [dreg:$0x0]  }
0x2: {  	s2 =	rddreg [dreg:$0x1]  }
0x3: {  	s3 =	simm.s32 $0x0;
	s5 =	stileid.u32;
	s1 =	srdreg.scid  }
0x4: {  	s8 =	simm.s32 $0x2;
	s18 =	simm.s32 $0x1;
	s20 =	simm.s32 $0x880  }
0x5: {  	s21 =	simm.s32 $0x1080;
	s22 =	simm.s32 $0x1880;
	s23 =	simm.s32 $0x2080  }
0x6: {  	s24 =	simm.s32 $0x2880;
	s28 =	simm.s32 $0x4080;
	s29 =	simm.s32 $0x4880  }
0x7: {  	s30 =	simm.s32 $0x5080;
	s31 =	simm.s32 $0x5880;
	s10 =	simm.s32 $0x7080  }
0x8: {  	s11 =	simm.s32 $0x7880;
	s12 =	simm.s32 $0x8080;
	s13 =	simm.s32 $0x8880  }
0x9: {  	s14 =	simm.s32 $0x9080;
	s15 =	simm.s32 $0x9880;
	s16 =	simm.s32 $0xA080  }
0xa: {  	s17 =	simm.s32 $0xA880;
	s9 =	simm.s32 $0xB080;
	[smem:$0x7FF] =	sst s3  }
0xb: {  	s4 =	sshll.u32 s5, $0x1;
	s5 =	sshrl.u32 s5, $0x1;
	s1 =	sand.u32 $0x1, s1  }
0xc: {  	s4 =	sand.u32 $0x2, s4;
	_ =	strace $0x80000047;
	s6 =	sshll.u32 s5, $0x4  }
0xd: {  	s5 =	sshll.u32 s5, $0x10;
	s4 =	sor.u32 s1, s4;
	s6 =	sadd.s32 s6, s0  }
0xe: {  	s1 =	ssub.s32 $0x2, s1;
	s7 =	sshll.u32 s4, $0x7;
	s4 =	sshll.u32 s4, $0xE  }
0xf: {  	s25 =	sshrl.u32 s1, $0x1;
	s6 =	sadd.s32 s7, s6;
	s4 =	sor.u32 s5, s4  }
0x10: {  	s1 =	ssub.s32 s1, s25;
	s5 =	sadd.s32 $0x200, s2;
	s25 =	simm.s32 $0x3080  }
0x11: {  	s6 =	sadd.s32 $0x1000, s6;
	s0 =	sadd.s32 s4, s0;
	s4 =	sadd.s32 $0x100, s2  }
0x12: {  	v2 =	vlaneseq.u32;
	s7 =	smax.u32 s1, $0x1;
	[dreg:$0x3] =	wrdreg s6;
	s26 =	sadd.s32 $0x1200, s0  }
0x13: {  	vm0 =	vmmov $0xffff;
	v1 =	vshrl.u32 v2, $0x3;
	s6 =	sadd.s32 $0x300, s2;
	s0 =	sadd.s32 $0x3200, s0;
	[dreg:$0x4] =	wrdreg s26  }
0x14: {  	v0 =	vand.u32 $0x7, v2;
	v2 =	vor.u32 $0x8, v2;
	v1 =	vmul.u32 $0x8, v1;
	[dreg:$0x5] =	wrdreg s0;
	s0 =	simm.s32 $0x80;
	s26 =	simm.s32 $0x3880  }
.LBB2_1:
0x15: {  	s19 =	rddreg [dreg:$0x3]  }
0x16: {  	[tilespmem:s3], [sflag:$0x2] =	stream.linear.gather [hbm4b:s19+s3], $0x80, $0x38;
	[tilespmem:$0x10080] =	vst v63  }
0x17: {  	_ =	swait.ge [sflag:s8], $0x80  }
0x18: {  	[sflag:s8] =	ssyncset.done $0x0  }
0x19: {  	[sflag:s8] =	ssyncadd.s32 $0xFFFFFF80  }
0x1a: {  	v3 =	vld [tilespmem:$0x0];
	_ =	sdelay $0x4  }
0x1b: {  	v4 =	vshll.u32 v3, $0x3  }
0x1c: {  	v3 =	vand.u32 $0x7, v3;
	v4 =	vand.u32 $0xFFFFFFC0, v4  }
0x1d: {  	v3 =	vor.u32 v3, v4  }
0x1e: {  	v4 =	vperm.xlane v3, v0;
	_ =	sdelay $0x1  }
0x1f: {  	v4 =	vadd.s32 v1, v4;
	_ =	sdelay $0x4  }
0x20: {  	[tilespmem:s0], [sflag:$0x1] =	stream.indirect_vreg.gather [hbm4b:s2+s3], $0x80, v4, vm0, $0xb8;
	[tilespmem:$0x10080] =	vst v63  }
0x21: {  	v3 =	vperm.xlane v3, v2  }
0x22: {  	[tilespmem:s20], [sflag:$0x1] =	stream.indirect_vreg.gather [hbm4b:s4+s3], $0x80, v4, vm0, $0xb8;
	[tilespmem:$0x10080] =	vst v63  }
0x23: {  	v3 =	vadd.s32 v1, v3  }
0x24: {  	[tilespmem:s21], [sflag:$0x1] =	stream.indirect_vreg.gather [hbm4b:s5+s3], $0x80, v4, vm0, $0xb8;
	[tilespmem:$0x10080] =	vst v63  }
0x25: {  	_ = 	snop  }
0x26: {  	[tilespmem:s22], [sflag:$0x1] =	stream.indirect_vreg.gather [hbm4b:s6+s3], $0x80, v4, vm0, $0xb8;
	[tilespmem:$0x10080] =	vst v63  }
0x27: {  	_ = 	snop  }
0x28: {  	[tilespmem:s23], [sflag:$0x1] =	stream.indirect_vreg.gather [hbm4b:s2+s3], $0x80, v3, vm0, $0xb8;
	[tilespmem:$0x10080] =	vst v63  }
0x29: {  	_ = 	snop  }
0x2a: {  	[tilespmem:s24], [sflag:$0x1] =	stream.indirect_vreg.gather [hbm4b:s4+s3], $0x80, v3, vm0, $0xb8;
	[tilespmem:$0x10080] =	vst v63  }
0x2b: {  	_ = 	snop  }
0x2c: {  	[tilespmem:s25], [sflag:$0x1] =	stream.indirect_vreg.gather [hbm4b:s5+s3], $0x80, v3, vm0, $0xb8;
	[tilespmem:$0x10080] =	vst v63  }
0x2d: {  	_ = 	snop  }
0x2e: {  	[tilespmem:s26], [sflag:$0x1] =	stream.indirect_vreg.gather [hbm4b:s6+s3], $0x80, v3, vm0, $0xb8;
	[tilespmem:$0x10080] =	vst v63  }
0x2f: {  	v3 =	vld [tilespmem:$0x10];
	_ =	sdelay $0x4  }
0x30: {  	v57 =	vshll.u32 v3, $0x3  }
0x31: {  	v3 =	vand.u32 $0x7, v3;
	v4 =	vand.u32 $0xFFFFFFC0, v57  }
0x32: {  	v3 =	vor.u32 v3, v4  }
0x33: {  	v4 =	vperm.xlane v3, v0;
	_ =	sdelay $0x1  }
0x34: {  	v4 =	vadd.s32 v1, v4;
	_ =	sdelay $0x4  }
0x35: {  	[tilespmem:s28], [sflag:$0x1] =	stream.indirect_vreg.gather [hbm4b:s2+s3], $0x80, v4, vm0, $0xb8;
	[tilespmem:$0x10080] =	vst v63  }
0x36: {  	v3 =	vperm.xlane v3, v2  }
0x37: {  	[tilespmem:s29], [sflag:$0x1] =	stream.indirect_vreg.gather [hbm4b:s4+s3], $0x80, v4, vm0, $0xb8;
	[tilespmem:$0x10080] =	vst v63  }
0x38: {  	v3 =	vadd.s32 v1, v3  }
0x39: {  	[tilespmem:s30], [sflag:$0x1] =	stream.indirect_vreg.gather [hbm4b:s5+s3], $0x80, v4, vm0, $0xb8;
	[tilespmem:$0x10080] =	vst v63  }
0x3a: {  	_ = 	snop  }
0x3b: {  	[tilespmem:s31], [sflag:$0x1] =	stream.indirect_vreg.gather [hbm4b:s6+s3], $0x80, v4, vm0, $0xb8;
	[tilespmem:$0x10080] =	vst v63  }
0x3c: {  	s1 =	simm.s32 $0x6080  }
0x3d: {  	[tilespmem:s1], [sflag:$0x1] =	stream.indirect_vreg.gather [hbm4b:s2+s3], $0x80, v3, vm0, $0xb8;
	[tilespmem:$0x10080] =	vst v63  }
0x3e: {  	s1 =	simm.s32 $0x6880  }
0x3f: {  	[tilespmem:s1], [sflag:$0x1] =	stream.indirect_vreg.gather [hbm4b:s4+s3], $0x80, v3, vm0, $0xb8;
	[tilespmem:$0x10080] =	vst v63  }
0x40: {  	_ = 	snop  }
0x41: {  	[tilespmem:s10], [sflag:$0x1] =	stream.indirect_vreg.gather [hbm4b:s5+s3], $0x80, v3, vm0, $0xb8;
	[tilespmem:$0x10080] =	vst v63  }
0x42: {  	_ = 	snop  }
0x43: {  	[tilespmem:s11], [sflag:$0x1] =	stream.indirect_vreg.gather [hbm4b:s6+s3], $0x80, v3, vm0, $0xb8;
	[tilespmem:$0x10080] =	vst v63  }
0x44: {  	v3 =	vld [tilespmem:$0x20];
	_ =	sdelay $0x4  }
0x45: {  	v58 =	vshll.u32 v3, $0x3  }
0x46: {  	v3 =	vand.u32 $0x7, v3;
	v4 =	vand.u32 $0xFFFFFFC0, v58  }
0x47: {  	v3 =	vor.u32 v3, v4  }
0x48: {  	v4 =	vperm.xlane v3, v0;
	_ =	sdelay $0x1  }
0x49: {  	v4 =	vadd.s32 v1, v4;
	_ =	sdelay $0x4  }
0x4a: {  	[tilespmem:s12], [sflag:$0x1] =	stream.indirect_vreg.gather [hbm4b:s2+s3], $0x80, v4, vm0, $0xb8;
	[tilespmem:$0x10080] =	vst v63  }
0x4b: {  	v3 =	vperm.xlane v3, v2  }
0x4c: {  	[tilespmem:s13], [sflag:$0x1] =	stream.indirect_vreg.gather [hbm4b:s4+s3], $0x80, v4, vm0, $0xb8;
	[tilespmem:$0x10080] =	vst v63  }
0x4d: {  	v3 =	vadd.s32 v1, v3  }
0x4e: {  	[tilespmem:s14], [sflag:$0x1] =	stream.indirect_vreg.gather [hbm4b:s5+s3], $0x80, v4, vm0, $0xb8;
	[tilespmem:$0x10080] =	vst v63  }
0x4f: {  	_ = 	snop  }
0x50: {  	[tilespmem:s15], [sflag:$0x1] =	stream.indirect_vreg.gather [hbm4b:s6+s3], $0x80, v4, vm0, $0xb8;
	[tilespmem:$0x10080] =	vst v63  }
0x51: {  	_ = 	snop  }
0x52: {  	[tilespmem:s16], [sflag:$0x1] =	stream.indirect_vreg.gather [hbm4b:s2+s3], $0x80, v3, vm0, $0xb8;
	[tilespmem:$0x10080] =	vst v63  }
0x53: {  	_ = 	snop  }
0x54: {  	[tilespmem:s17], [sflag:$0x1] =	stream.indirect_vreg.gather [hbm4b:s4+s3], $0x80, v3, vm0, $0xb8;
	[tilespmem:$0x10080] =	vst v63  }
0x55: {  	_ = 	snop  }
0x56: {  	[tilespmem:s9], [sflag:$0x1] =	stream.indirect_vreg.gather [hbm4b:s5+s3], $0x80, v3, vm0, $0xb8;
	[tilespmem:$0x10080] =	vst v63  }
0x57: {  	s19 =	simm.s32 $0xB880  }
0x58: {  	[tilespmem:s19], [sflag:$0x1] =	stream.indirect_vreg.gather [hbm4b:s6+s3], $0x80, v3, vm0, $0xb8;
	[tilespmem:$0x10080] =	vst v63  }
0x59: {  	v3 =	vld [tilespmem:$0x30];
	_ =	sdelay $0x4  }
0x5a: {  	v59 =	vshll.u32 v3, $0x3  }
0x5b: {  	v3 =	vand.u32 $0x7, v3;
	v4 =	vand.u32 $0xFFFFFFC0, v59  }
0x5c: {  	v3 =	vor.u32 v3, v4  }
0x5d: {  	v4 =	vperm.xlane v3, v0;
	_ =	sdelay $0x1  }
0x5e: {  	v4 =	vadd.s32 v1, v4;
	_ =	sdelay $0x3  }
0x5f: {  	s19 =	simm.s32 $0xC080  }
0x60: {  	[tilespmem:s19], [sflag:$0x1] =	stream.indirect_vreg.gather [hbm4b:s2+s3], $0x80, v4, vm0, $0xb8;
	[tilespmem:$0x10080] =	vst v63  }
0x61: {  	v3 =	vperm.xlane v3, v2;
	s19 =	simm.s32 $0xC880  }
0x62: {  	[tilespmem:s19], [sflag:$0x1] =	stream.indirect_vreg.gather [hbm4b:s4+s3], $0x80, v4, vm0, $0xb8;
	[tilespmem:$0x10080] =	vst v63  }
0x63: {  	v3 =	vadd.s32 v1, v3;
	s19 =	simm.s32 $0xD080  }
0x64: {  	[tilespmem:s19], [sflag:$0x1] =	stream.indirect_vreg.gather [hbm4b:s5+s3], $0x80, v4, vm0, $0xb8;
	[tilespmem:$0x10080] =	vst v63  }
0x65: {  	s19 =	simm.s32 $0xD880  }
0x66: {  	[tilespmem:s19], [sflag:$0x1] =	stream.indirect_vreg.gather [hbm4b:s6+s3], $0x80, v4, vm0, $0xb8;
	[tilespmem:$0x10080] =	vst v63  }
0x67: {  	s19 =	simm.s32 $0xE080  }
0x68: {  	[tilespmem:s19], [sflag:$0x1] =	stream.indirect_vreg.gather [hbm4b:s2+s3], $0x80, v3, vm0, $0xb8;
	[tilespmem:$0x10080] =	vst v63  }
0x69: {  	s19 =	simm.s32 $0xE880  }
0x6a: {  	[tilespmem:s19], [sflag:$0x1] =	stream.indirect_vreg.gather [hbm4b:s4+s3], $0x80, v3, vm0, $0xb8;
	[tilespmem:$0x10080] =	vst v63  }
0x6b: {  	s19 =	simm.s32 $0xF080  }
0x6c: {  	[tilespmem:s19], [sflag:$0x1] =	stream.indirect_vreg.gather [hbm4b:s5+s3], $0x80, v3, vm0, $0xb8;
	[tilespmem:$0x10080] =	vst v63  }
0x6d: {  	s19 =	simm.s32 $0xF880  }
0x6e: {  	[tilespmem:s19], [sflag:$0x1] =	stream.indirect_vreg.gather [hbm4b:s6+s3], $0x80, v3, vm0, $0xb8;
	[tilespmem:$0x10080] =	vst v63  }
0x6f: {  	_ =	swait.ge [sflag:s18], $0x10000  }
0x70: {  	[sflag:s18] =	ssyncset.done $0x0  }
0x71: {  	s19 =	rddreg [dreg:$0x4];
	[sflag:s18] =	ssyncadd.s32 $0xFFFF0000  }
0x72: {  	[hbm4b:s19+s3] =	stream.linear.scatter [tilespmem:s0], [sflag:$0x2], $0x10000, $0x38;
	[tilespmem:$0x10080] =	vst v63  }
0x73: {  	_ =	swait.ge [sflag:s8], $0x10000  }
0x74: {  	[sflag:s8] =	ssyncset.done $0x0  }
0x75: {  	[sflag:s8] =	ssyncadd.s32 $0xFFFF0000  }
0x76: {  	v3 =	vld [tilespmem:$0x40];
	_ =	sdelay $0x4  }
0x77: {  	v60 =	vshll.u32 v3, $0x3  }
0x78: {  	v3 =	vand.u32 $0x7, v3;
	v4 =	vand.u32 $0xFFFFFFC0, v60  }
0x79: {  	v3 =	vor.u32 v3, v4  }
0x7a: {  	v4 =	vperm.xlane v3, v0;
	_ =	sdelay $0x1  }
0x7b: {  	v4 =	vadd.s32 v1, v4;
	_ =	sdelay $0x4  }
0x7c: {  	[tilespmem:s0], [sflag:$0x1] =	stream.indirect_vreg.gather [hbm4b:s2+s3], $0x80, v4, vm0, $0xb8;
	[tilespmem:$0x10080] =	vst v63  }
0x7d: {  	v3 =	vperm.xlane v3, v2  }
0x7e: {  	[tilespmem:s20], [sflag:$0x1] =	stream.indirect_vreg.gather [hbm4b:s4+s3], $0x80, v4, vm0, $0xb8;
	[tilespmem:$0x10080] =	vst v63  }
0x7f: {  	v3 =	vadd.s32 v1, v3  }
0x80: {  	[tilespmem:s21], [sflag:$0x1] =	stream.indirect_vreg.gather [hbm4b:s5+s3], $0x80, v4, vm0, $0xb8;
	[tilespmem:$0x10080] =	vst v63  }
0x81: {  	_ = 	snop  }
0x82: {  	[tilespmem:s22], [sflag:$0x1] =	stream.indirect_vreg.gather [hbm4b:s6+s3], $0x80, v4, vm0, $0xb8;
	[tilespmem:$0x10080] =	vst v63  }
0x83: {  	_ = 	snop  }
0x84: {  	[tilespmem:s23], [sflag:$0x1] =	stream.indirect_vreg.gather [hbm4b:s2+s3], $0x80, v3, vm0, $0xb8;
	[tilespmem:$0x10080] =	vst v63  }
0x85: {  	_ = 	snop  }
0x86: {  	[tilespmem:s24], [sflag:$0x1] =	stream.indirect_vreg.gather [hbm4b:s4+s3], $0x80, v3, vm0, $0xb8;
	[tilespmem:$0x10080] =	vst v63  }
0x87: {  	_ = 	snop  }
0x88: {  	[tilespmem:s25], [sflag:$0x1] =	stream.indirect_vreg.gather [hbm4b:s5+s3], $0x80, v3, vm0, $0xb8;
	[tilespmem:$0x10080] =	vst v63  }
0x89: {  	_ = 	snop  }
0x8a: {  	[tilespmem:s26], [sflag:$0x1] =	stream.indirect_vreg.gather [hbm4b:s6+s3], $0x80, v3, vm0, $0xb8;
	[tilespmem:$0x10080] =	vst v63  }
0x8b: {  	v3 =	vld [tilespmem:$0x50];
	_ =	sdelay $0x4  }
0x8c: {  	v61 =	vshll.u32 v3, $0x3  }
0x8d: {  	v3 =	vand.u32 $0x7, v3;
	v4 =	vand.u32 $0xFFFFFFC0, v61  }
0x8e: {  	v3 =	vor.u32 v3, v4  }
0x8f: {  	v4 =	vperm.xlane v3, v0;
	_ =	sdelay $0x1  }
0x90: {  	v4 =	vadd.s32 v1, v4;
	_ =	sdelay $0x4  }
0x91: {  	[tilespmem:s28], [sflag:$0x1] =	stream.indirect_vreg.gather [hbm4b:s2+s3], $0x80, v4, vm0, $0xb8;
	[tilespmem:$0x10080] =	vst v63  }
0x92: {  	v3 =	vperm.xlane v3, v2  }
0x93: {  	[tilespmem:s29], [sflag:$0x1] =	stream.indirect_vreg.gather [hbm4b:s4+s3], $0x80, v4, vm0, $0xb8;
	[tilespmem:$0x10080] =	vst v63  }
0x94: {  	v3 =	vadd.s32 v1, v3  }
0x95: {  	[tilespmem:s30], [sflag:$0x1] =	stream.indirect_vreg.gather [hbm4b:s5+s3], $0x80, v4, vm0, $0xb8;
	[tilespmem:$0x10080] =	vst v63  }
0x96: {  	_ = 	snop  }
0x97: {  	[tilespmem:s31], [sflag:$0x1] =	stream.indirect_vreg.gather [hbm4b:s6+s3], $0x80, v4, vm0, $0xb8;
	[tilespmem:$0x10080] =	vst v63  }
0x98: {  	s19 =	simm.s32 $0x6080  }
0x99: {  	[tilespmem:s19], [sflag:$0x1] =	stream.indirect_vreg.gather [hbm4b:s2+s3], $0x80, v3, vm0, $0xb8;
	[tilespmem:$0x10080] =	vst v63  }
0x9a: {  	_ = 	snop  }
0x9b: {  	[tilespmem:s1], [sflag:$0x1] =	stream.indirect_vreg.gather [hbm4b:s4+s3], $0x80, v3, vm0, $0xb8;
	[tilespmem:$0x10080] =	vst v63  }
0x9c: {  	_ = 	snop  }
0x9d: {  	[tilespmem:s10], [sflag:$0x1] =	stream.indirect_vreg.gather [hbm4b:s5+s3], $0x80, v3, vm0, $0xb8;
	[tilespmem:$0x10080] =	vst v63  }
0x9e: {  	_ = 	snop  }
0x9f: {  	[tilespmem:s11], [sflag:$0x1] =	stream.indirect_vreg.gather [hbm4b:s6+s3], $0x80, v3, vm0, $0xb8;
	[tilespmem:$0x10080] =	vst v63  }
0xa0: {  	v3 =	vld [tilespmem:$0x60];
	_ =	sdelay $0x4  }
0xa1: {  	v62 =	vshll.u32 v3, $0x3  }
0xa2: {  	v3 =	vand.u32 $0x7, v3;
	v4 =	vand.u32 $0xFFFFFFC0, v62  }
0xa3: {  	v3 =	vor.u32 v3, v4  }
0xa4: {  	v4 =	vperm.xlane v3, v0;
	_ =	sdelay $0x1  }
0xa5: {  	v4 =	vadd.s32 v1, v4;
	_ =	sdelay $0x4  }
0xa6: {  	[tilespmem:s12], [sflag:$0x1] =	stream.indirect_vreg.gather [hbm4b:s2+s3], $0x80, v4, vm0, $0xb8;
	[tilespmem:$0x10080] =	vst v63  }
0xa7: {  	v3 =	vperm.xlane v3, v2  }
0xa8: {  	[tilespmem:s13], [sflag:$0x1] =	stream.indirect_vreg.gather [hbm4b:s4+s3], $0x80, v4, vm0, $0xb8;
	[tilespmem:$0x10080] =	vst v63  }
0xa9: {  	v3 =	vadd.s32 v1, v3  }
0xaa: {  	[tilespmem:s14], [sflag:$0x1] =	stream.indirect_vreg.gather [hbm4b:s5+s3], $0x80, v4, vm0, $0xb8;
	[tilespmem:$0x10080] =	vst v63  }
0xab: {  	_ = 	snop  }
0xac: {  	[tilespmem:s15], [sflag:$0x1] =	stream.indirect_vreg.gather [hbm4b:s6+s3], $0x80, v4, vm0, $0xb8;
	[tilespmem:$0x10080] =	vst v63  }
0xad: {  	_ = 	snop  }
0xae: {  	[tilespmem:s16], [sflag:$0x1] =	stream.indirect_vreg.gather [hbm4b:s2+s3], $0x80, v3, vm0, $0xb8;
	[tilespmem:$0x10080] =	vst v63  }
0xaf: {  	_ = 	snop  }
0xb0: {  	[tilespmem:s17], [sflag:$0x1] =	stream.indirect_vreg.gather [hbm4b:s4+s3], $0x80, v3, vm0, $0xb8;
	[tilespmem:$0x10080] =	vst v63  }
0xb1: {  	_ = 	snop  }
0xb2: {  	[tilespmem:s9], [sflag:$0x1] =	stream.indirect_vreg.gather [hbm4b:s5+s3], $0x80, v3, vm0, $0xb8;
	[tilespmem:$0x10080] =	vst v63  }
0xb3: {  	s19 =	simm.s32 $0xB880  }
0xb4: {  	[tilespmem:s19], [sflag:$0x1] =	stream.indirect_vreg.gather [hbm4b:s6+s3], $0x80, v3, vm0, $0xb8;
	[tilespmem:$0x10080] =	vst v63  }
0xb5: {  	v3 =	vld [tilespmem:$0x70];
	_ =	sdelay $0x4  }
0xb6: {  	v63 =	vshll.u32 v3, $0x3  }
0xb7: {  	v3 =	vand.u32 $0x7, v3;
	v4 =	vand.u32 $0xFFFFFFC0, v63  }
0xb8: {  	v3 =	vor.u32 v3, v4  }
0xb9: {  	v4 =	vperm.xlane v3, v0;
	_ =	sdelay $0x1  }
0xba: {  	v4 =	vadd.s32 v1, v4;
	_ =	sdelay $0x3  }
0xbb: {  	s19 =	simm.s32 $0xC080  }
0xbc: {  	[tilespmem:s19], [sflag:$0x1] =	stream.indirect_vreg.gather [hbm4b:s2+s3], $0x80, v4, vm0, $0xb8;
	[tilespmem:$0x10080] =	vst v63  }
0xbd: {  	v3 =	vperm.xlane v3, v2;
	s19 =	simm.s32 $0xC880  }
0xbe: {  	[tilespmem:s19], [sflag:$0x1] =	stream.indirect_vreg.gather [hbm4b:s4+s3], $0x80, v4, vm0, $0xb8;
	[tilespmem:$0x10080] =	vst v63  }
0xbf: {  	v3 =	vadd.s32 v1, v3;
	s19 =	simm.s32 $0xD080  }
0xc0: {  	[tilespmem:s19], [sflag:$0x1] =	stream.indirect_vreg.gather [hbm4b:s5+s3], $0x80, v4, vm0, $0xb8;
	[tilespmem:$0x10080] =	vst v63  }
0xc1: {  	s19 =	simm.s32 $0xD880  }
0xc2: {  	[tilespmem:s19], [sflag:$0x1] =	stream.indirect_vreg.gather [hbm4b:s6+s3], $0x80, v4, vm0, $0xb8;
	[tilespmem:$0x10080] =	vst v63  }
0xc3: {  	s19 =	simm.s32 $0xE080  }
0xc4: {  	[tilespmem:s19], [sflag:$0x1] =	stream.indirect_vreg.gather [hbm4b:s2+s3], $0x80, v3, vm0, $0xb8;
	[tilespmem:$0x10080] =	vst v63  }
0xc5: {  	s19 =	simm.s32 $0xE880  }
0xc6: {  	[tilespmem:s19], [sflag:$0x1] =	stream.indirect_vreg.gather [hbm4b:s4+s3], $0x80, v3, vm0, $0xb8;
	[tilespmem:$0x10080] =	vst v63  }
0xc7: {  	s19 =	simm.s32 $0xF080  }
0xc8: {  	[tilespmem:s19], [sflag:$0x1] =	stream.indirect_vreg.gather [hbm4b:s5+s3], $0x80, v3, vm0, $0xb8;
	[tilespmem:$0x10080] =	vst v63  }
0xc9: {  	s19 =	simm.s32 $0xF880  }
0xca: {  	[tilespmem:s19], [sflag:$0x1] =	stream.indirect_vreg.gather [hbm4b:s6+s3], $0x80, v3, vm0, $0xb8;
	[tilespmem:$0x10080] =	vst v63  }
0xcb: {  	_ =	swait.ge [sflag:s18], $0x10000  }
0xcc: {  	p0 =	sne.s32 s7, $0x1;
	[sflag:s18] =	ssyncset.done $0x0  }
.Ltmp0:
0xcd: {  	s1 =	rddreg [dreg:$0x5];
	[sflag:s18] =	ssyncadd.s32 $0xFFFF0000;
	(pc) =	sbr.rel @p0 .LBB2_1-.Ltmp0, $4  }
0xce: {  	[hbm4b:s1+s3] =	stream.linear.scatter [tilespmem:s0], [sflag:$0x2], $0x10000, $0x38;
	[tilespmem:$0x10080] =	vst v63  }
0xcf: {  	_ =	swait.ge [sflag:s8], $0x10000  }
0xd0: {  	[sflag:s8] =	ssyncset.done $0x0  }
0xd1: {  	s7 =	sadd.s32 $0xFFFFFFFF, s7;
	[sflag:s8] =	ssyncadd.s32 $0xFFFF0000  }
0xd2: {  	_ =	sfence.sel $0x180000  }
0xd3: {  	[bflag:$0x0] =	sbarrier.arrive $0xFFFF  }
0xd4: {  	_ =	strace $0x90000047  }
0xd5: {  	s0 =	stileid.u32;
	[bflag:$0x2] =	sbarrier.arrive $0xFFFF  }
0xd6: {  	p0 =	sne.s32 s0, $0x0;
	s0 =	rddreg [dreg:$0x2]  }
0xd7: {  	s0 =	sadd.s32 @!p0 $0x100000, s0  }
0xd8: {  	[sflag:s0] =	ssyncadd.tile.s32 @!p0 $0x1;
	_ =	shalt  }
.Lfunc_end2:
_tile_overlayer_lowered:
.L_overlay_start_2:
0xd9: {  	(tag) =	ssettag $0x2  }
0xda: {  	s0 =	rddreg [dreg:$0x0];
	s2 =	stileid.u32  }
0xdb: {  	s1 =	rddreg [dreg:$0x1];
	p0 =	sne.s32 s2, $0x0  }
0xdc: {  	s3 =	rddreg [dreg:$0x2];
	[bflag:$0x3] =	sbarrier.arrive $0xFFFF;
	s2 =	simm.s32 @!p0 $0x1C02  }
0xdd: {  	[timem:s3], [sflag:s2] =	dma.local @!p0 [hbm:s0], s1  }
0xde: {  	s0 =	simm.s32 @!p0 $0x2  }
0xdf: {  	_ =	swait.ge @!p0 [sflag:s0], s1  }
0xe0: {  	s1 =	ssub.s32 @!p0 $0x0, s1;
	[sflag:s0] =	ssyncset.done @!p0 $0x0  }
0xe1: {  	[sflag:s0] =	ssyncadd.s32 @!p0 s1  }
0xe2: {  	[bflag:$0x3] =	sbarrier.arrive $0xFFFF  }
0xe3: {  	_ =	shalt  }

</sc_bundles>
